<compile_context>
chip_gen: v7x
topology: tpu7x:2x2x1
jax: 0.10.2.dev20260603
libtpu: 0.0.44.dev20260713+nightly
codegen_flags: <defaults>
</compile_context>

<pallas_src>
import functools

import jax
import jax.numpy as jnp
from jax import lax
from jax.experimental import pallas as pl
from jax.experimental.pallas import tpu as pltpu
from jax.experimental.pallas import tpu_sc as plsc

_VOCAB = 1000000
_EMBED = 32
_BATCH = 16384
_HIST = 200

_NC = 2
_NS = 16
_NW = _NC * _NS
_RPW = _BATCH // _NW
_RC = 8
_NSTEPS = _RPW // _RC


def _gather_body(idx_hbm, table_hbm, out_hbm, idx_v, rows_v, gsem, osem0,
                 osem1):
  wid = lax.axis_index("s") * _NC + lax.axis_index("c")
  base = wid * _RPW
  osems = (osem0, osem1)

  def do_step(i, b):
    row0 = base + i * _RC
    pltpu.sync_copy(idx_hbm.at[pl.ds(row0, _RC), :], idx_v.at[b])

    @pl.when(i >= 2)
    def _():
      def dr(k, carry):
        pltpu.make_async_copy(
            rows_v.at[b, :, pl.ds(4 * k, 4), :],
            out_hbm.at[0, pl.ds(row0, _RC)], osems[b]).wait()
        return carry
      lax.fori_loop(0, 50, dr, 0)

    for j in range(_RC):
      pltpu.async_copy(table_hbm.at[idx_v.at[b, j]], rows_v.at[b, j], gsem)
    for j in range(_RC):
      pltpu.make_async_copy(
          table_hbm.at[idx_v.at[b, j]], rows_v.at[b, j], gsem).wait()

    def wr(k, carry):
      pltpu.async_copy(
          rows_v.at[b, :, pl.ds(4 * k, 4), :],
          out_hbm.at[k, pl.ds(row0, _RC)], osems[b])
      return carry
    lax.fori_loop(0, 50, wr, 0)

  def pair(g, carry):
    do_step(g * 2, 0)
    do_step(g * 2 + 1, 1)
    return carry

  lax.fori_loop(0, _NSTEPS // 2, pair, 0)
  def drain_all(k, carry):
    pltpu.make_async_copy(
        rows_v.at[0, :, pl.ds(4 * k, 4), :],
        out_hbm.at[0, pl.ds(base, _RC)], osem0).wait()
    return carry
  lax.fori_loop(0, 50, drain_all, 0)
  def drain_all2(k, carry):
    pltpu.make_async_copy(
        rows_v.at[1, :, pl.ds(4 * k, 4), :],
        out_hbm.at[0, pl.ds(base, _RC)], osem1).wait()
    return carry
  lax.fori_loop(0, 50, drain_all2, 0)


_gather = functools.partial(
    pl.kernel,
    out_type=jax.ShapeDtypeStruct((50, _BATCH, 4, _EMBED), jnp.float32),
    mesh=plsc.VectorSubcoreMesh(core_axis_name="c", subcore_axis_name="s"),
    scratch_types=[
        pltpu.VMEM((2, _RC, _HIST), jnp.int32),
        pltpu.VMEM((2, _RC, _HIST, _EMBED), jnp.float32),
        pltpu.SemaphoreType.DMA,
        pltpu.SemaphoreType.DMA,
        pltpu.SemaphoreType.DMA,
    ],
    compiler_params=pltpu.CompilerParams(use_tc_tiling_on_sc=False),
)(_gather_body)


def _retile_body(x_ref, o_ref):
  x3 = jnp.reshape(x_ref[...], (64, 128, 128))
  xt = jnp.transpose(x3, (0, 2, 1))
  o = jnp.reshape(xt, (64, 16, 8, 128))
  o_ref[0] = jnp.transpose(o, (1, 0, 2, 3))


_retile = pl.pallas_call(
    _retile_body,
    out_shape=jax.ShapeDtypeStruct((50, 16, 128, 8, 128), jnp.float32),
    grid=(50, 2),
    in_specs=[pl.BlockSpec((8192, 128), lambda k, bb: (k * 2 + bb, 0))],
    out_specs=pl.BlockSpec(
        (1, 16, 64, 8, 128), lambda k, bb: (k, 0, bb, 0, 0)),
)


def _mask_body(x_ref, o_ref):
  o_ref[...] = x_ref[...] != 0


_mask = pl.pallas_call(
    _mask_body,
    out_shape=jax.ShapeDtypeStruct((_BATCH, _HIST), jnp.bool_),
    grid=(16,),
    in_specs=[pl.BlockSpec((_BATCH // 16, _HIST), lambda i: (i, 0))],
    out_specs=pl.BlockSpec((_BATCH // 16, _HIST), lambda i: (i, 0)),
)


@jax.jit
def kernel(inputs, table):
  rows4 = _gather(inputs, table)
  mask = _mask(inputs)
  out5 = _retile(jnp.reshape(rows4, (50 * _BATCH, 128)))
  emb = jnp.reshape(
      jnp.transpose(out5, (2, 4, 0, 1, 3)), (_BATCH, _HIST, _EMBED))
  return emb, mask

# --- scband reference (transcript-rebuilt; emitter-appended) ---
"""Pipeline reference for scband-embedding-layer-65189013619081 (READ-ONLY COPY).

The authoritative reference and input builder live on the scoring server;
editing this copy changes nothing except your own understanding.
"""

import jax, jax.numpy as jnp
import numpy as np

VOCAB = 1000000
EMBED = 32
BATCH = 16384
HIST = 200

def setup_inputs(seed: int = 0) -> dict:
    key = jax.random.key(seed)
    k1, k2 = jax.random.split(key)
    inputs = jax.random.randint(k1, (BATCH, HIST), 0, VOCAB, dtype=jnp.int64 if jax.config.jax_enable_x64 else jnp.int32).astype(jnp.int32)
    table = jax.random.normal(k2, (VOCAB, EMBED), dtype=jnp.float32) * 0.05
    return {"inputs": inputs, "table": table}

def reference(inputs, table):
    # Embedding lookup (gather)
    embeddings = jnp.take(table, inputs, axis=0)
    # mask_zero=True: mask is True where input != 0
    mask = inputs != 0
    return (embeddings, mask)

if __name__ == "__main__":
    import jax
    _d = setup_inputs()
    print(jax.jit(kernel)(*tuple(_d.values())))

</pallas_src>

<mosaic_0001>
#map = affine_map<(d0, d1) -> (0, 0)>
#map1 = affine_map<(d0, d1) -> (0, 0, 0, 0)>
module attributes {stable_mosaic.version = 14 : i64} {
  func.func @_gather_body(%arg0: i32, %arg1: i32, %arg2: memref<16384x200xi32, #tpu.memory_space<hbm>>, %arg3: memref<1000000x32xf32, #tpu.memory_space<hbm>>, %arg4: memref<50x16384x4x32xf32, #tpu.memory_space<hbm>>, %arg5: memref<2x8x200xi32, #tpu.memory_space<vmem>>, %arg6: memref<2x8x200x32xf32, #tpu.memory_space<vmem>>, %arg7: memref<!tpu.dma_semaphore, #tpu.memory_space<semaphore_mem>>, %arg8: memref<!tpu.dma_semaphore, #tpu.memory_space<semaphore_mem>>, %arg9: memref<!tpu.dma_semaphore, #tpu.memory_space<semaphore_mem>>) attributes {dimension_semantics = [#tpu.dimension_semantics<core_parallel>, #tpu.dimension_semantics<subcore_parallel>], iteration_bounds = array<i64: 2, 16>, scalar_prefetch = 0 : i64, scratch_operands = 5 : i64, tpu.core_type = #tpu.core_type<sc_vector_subcore>, window_params = [{transform_indices = #map}, {transform_indices = #map}, {transform_indices = #map1}]} {
    %mul3A = arith.constant 2 : i32
    %mul3A_0 = arith.muli %arg1, %mul3A : i32
    %add3A = arith.addi %mul3A_0, %arg0 : i32
    %mul3A_1 = arith.constant 512 : i32
    %mul3A_2 = arith.muli %add3A, %mul3A_1 : i32
    %scan3A = arith.constant 0 : i32
    %scan3A_3 = arith.constant 0 : i32
    %scan3A_4 = arith.constant 32 : i32
    %scan3A_5 = arith.addi %scan3A_3, %scan3A_4 : i32
    %scan3A_6 = arith.constant 1 : i32
    scf.for %scan3A_20 = %scan3A_3 to %scan3A_5 step %scan3A_6  : i32 {
      %mul3A_21 = arith.constant 2 : i32
      %mul3A_22 = arith.muli %scan3A_20, %mul3A_21 : i32
      %mul3A_23 = arith.constant 8 : i32
      %mul3A_24 = arith.muli %mul3A_22, %mul3A_23 : i32
      %add3A_25 = arith.addi %mul3A_2, %mul3A_24 : i32
      %run_scoped3A = arith.constant 0 : i32
      "tpu.region"() ({
        %run_scoped3A_499 = tpu.sem_alloc : memref<!tpu.dma_semaphore, #tpu.memory_space<semaphore_mem>>
        %dma_start3A_500 = arith.constant 0 : i32
        %dma_start3A_501 = arith.constant 0 : i32
        %dma_start3A_502 = tpu.memref_slice %arg5[%run_scoped3A, %dma_start3A_500, %dma_start3A_501] : memref<2x8x200xi32, #tpu.memory_space<vmem>> -> memref<1x8x200xi32, #tpu.memory_space<vmem>>
        %dma_start3A_503 = tpu.memref_squeeze %dma_start3A_502 : memref<1x8x200xi32, #tpu.memory_space<vmem>> -> memref<8x200xi32, #tpu.memory_space<vmem>>
        %dma_start3A_504 = arith.constant 0 : i32
        %dma_start3A_505 = tpu.memref_slice %arg2[%add3A_25, %dma_start3A_504] : memref<16384x200xi32, #tpu.memory_space<hbm>> -> memref<8x200xi32, #tpu.memory_space<hbm>>
        %dma_start3A_506 = arith.constant 0 : i32
        %dma_start3A_507 = arith.constant 0 : i32
        %dma_start3A_508 = tpu.memref_slice %arg5[%run_scoped3A, %dma_start3A_506, %dma_start3A_507] : memref<2x8x200xi32, #tpu.memory_space<vmem>> -> memref<1x8x200xi32, #tpu.memory_space<vmem>>
        %dma_start3A_509 = tpu.memref_squeeze %dma_start3A_508 : memref<1x8x200xi32, #tpu.memory_space<vmem>> -> memref<8x200xi32, #tpu.memory_space<vmem>>
        %dma_start3A_510 = arith.constant 0 : i32
        %dma_start3A_511 = tpu.memref_slice %arg2[%add3A_25, %dma_start3A_510] : memref<16384x200xi32, #tpu.memory_space<hbm>> -> memref<8x200xi32, #tpu.memory_space<hbm>>
        tpu.enqueue_dma source(%dma_start3A_511 : memref<8x200xi32, #tpu.memory_space<hbm>>) target(%dma_start3A_509 : memref<8x200xi32, #tpu.memory_space<vmem>>) target_semaphore(%run_scoped3A_499 : memref<!tpu.dma_semaphore, #tpu.memory_space<semaphore_mem>>)
        %dma_wait3A_512 = arith.constant 0 : i32
        %dma_wait3A_513 = arith.constant 0 : i32
        %dma_wait3A_514 = tpu.memref_slice %arg5[%run_scoped3A, %dma_wait3A_512, %dma_wait3A_513] : memref<2x8x200xi32, #tpu.memory_space<vmem>> -> memref<1x8x200xi32, #tpu.memory_space<vmem>>
        %dma_wait3A_515 = tpu.memref_squeeze %dma_wait3A_514 : memref<1x8x200xi32, #tpu.memory_space<vmem>> -> memref<8x200xi32, #tpu.memory_space<vmem>>
        %dma_wait3A_516 = arith.constant 0 : i32
        %dma_wait3A_517 = tpu.memref_slice %arg2[%add3A_25, %dma_wait3A_516] : memref<16384x200xi32, #tpu.memory_space<hbm>> -> memref<8x200xi32, #tpu.memory_space<hbm>>
        %dma_wait3A_518 = arith.constant 0 : i32
        %dma_wait3A_519 = arith.constant 0 : i32
        %dma_wait3A_520 = tpu.memref_slice %arg5[%run_scoped3A, %dma_wait3A_518, %dma_wait3A_519] : memref<2x8x200xi32, #tpu.memory_space<vmem>> -> memref<1x8x200xi32, #tpu.memory_space<vmem>>
        %dma_wait3A_521 = tpu.memref_squeeze %dma_wait3A_520 : memref<1x8x200xi32, #tpu.memory_space<vmem>> -> memref<8x200xi32, #tpu.memory_space<vmem>>
        %dma_wait3A_522 = arith.constant 0 : i32
        %dma_wait3A_523 = tpu.memref_slice %arg2[%add3A_25, %dma_wait3A_522] : memref<16384x200xi32, #tpu.memory_space<hbm>> -> memref<8x200xi32, #tpu.memory_space<hbm>>
        tpu.wait_dma2 semaphore(%run_scoped3A_499 : memref<!tpu.dma_semaphore, #tpu.memory_space<semaphore_mem>>) src(%dma_wait3A_523 : memref<8x200xi32, #tpu.memory_space<hbm>>) dst(%dma_wait3A_521 : memref<8x200xi32, #tpu.memory_space<vmem>>)
        tpu.yield
      }) : () -> ()
      %ge3A = arith.constant 2 : i32
      %ge3A_26 = arith.cmpi sge, %mul3A_22, %ge3A : i32
      %convert_element_type3A = arith.extui %ge3A_26 : i1 to i32
      %cond3A = arith.constant 0 : i32
      %cond3A_27 = arith.cmpi ne, %convert_element_type3A, %cond3A : i32
      scf.if %cond3A_27 {
        %scan3A_499 = arith.constant 0 : i32
        %scan3A_500 = arith.constant 0 : i32
        %scan3A_501 = arith.constant 50 : i32
        %scan3A_502 = arith.addi %scan3A_500, %scan3A_501 : i32
        %scan3A_503 = arith.constant 1 : i32
        scf.for %scan3A_505 = %scan3A_500 to %scan3A_502 step %scan3A_503  : i32 {
          %mul3A_506 = arith.constant 4 : i32
          %mul3A_507 = arith.muli %mul3A_506, %scan3A_505 : i32
          %dma_wait3A_508 = arith.constant 0 : i32
          %dma_wait3A_509 = arith.constant 0 : i32
          %dma_wait3A_510 = arith.constant 0 : i32
          %dma_wait3A_511 = arith.constant 0 : i32
          %dma_wait3A_512 = tpu.memref_slice %arg6[%dma_wait3A_508, %dma_wait3A_510, %mul3A_507, %dma_wait3A_511] : memref<2x8x200x32xf32, #tpu.memory_space<vmem>> -> memref<1x8x4x32xf32, #tpu.memory_space<vmem>>
          %dma_wait3A_513 = tpu.memref_squeeze %dma_wait3A_512 : memref<1x8x4x32xf32, #tpu.memory_space<vmem>> -> memref<8x4x32xf32, #tpu.memory_space<vmem>>
          %dma_wait3A_514 = arith.constant 0 : i32
          %dma_wait3A_515 = arith.constant 0 : i32
          %dma_wait3A_516 = tpu.memref_slice %arg4[%dma_wait3A_509, %add3A_25, %dma_wait3A_514, %dma_wait3A_515] : memref<50x16384x4x32xf32, #tpu.memory_space<hbm>> -> memref<1x8x4x32xf32, #tpu.memory_space<hbm>>
          %dma_wait3A_517 = tpu.memref_squeeze %dma_wait3A_516 : memref<1x8x4x32xf32, #tpu.memory_space<hbm>> -> memref<8x4x32xf32, #tpu.memory_space<hbm>>
          %dma_wait3A_518 = arith.constant 0 : i32
          %dma_wait3A_519 = arith.constant 0 : i32
          %dma_wait3A_520 = tpu.memref_slice %arg4[%dma_wait3A_509, %add3A_25, %dma_wait3A_518, %dma_wait3A_519] : memref<50x16384x4x32xf32, #tpu.memory_space<hbm>> -> memref<1x8x4x32xf32, #tpu.memory_space<hbm>>
          %dma_wait3A_521 = tpu.memref_squeeze %dma_wait3A_520 : memref<1x8x4x32xf32, #tpu.memory_space<hbm>> -> memref<8x4x32xf32, #tpu.memory_space<hbm>>
          %dma_wait3A_522 = arith.constant 0 : i32
          %dma_wait3A_523 = arith.constant 0 : i32
          %dma_wait3A_524 = tpu.memref_slice %arg6[%dma_wait3A_508, %dma_wait3A_522, %mul3A_507, %dma_wait3A_523] : memref<2x8x200x32xf32, #tpu.memory_space<vmem>> -> memref<1x8x4x32xf32, #tpu.memory_space<vmem>>
          %dma_wait3A_525 = tpu.memref_squeeze %dma_wait3A_524 : memref<1x8x4x32xf32, #tpu.memory_space<vmem>> -> memref<8x4x32xf32, #tpu.memory_space<vmem>>
          tpu.wait_dma2 semaphore(%arg8 : memref<!tpu.dma_semaphore, #tpu.memory_space<semaphore_mem>>) src(%dma_wait3A_525 : memref<8x4x32xf32, #tpu.memory_space<vmem>>) dst(%dma_wait3A_521 : memref<8x4x32xf32, #tpu.memory_space<hbm>>)
        }
        %scan3A_504 = arith.constant 50 : i32
      } else {
      }
      %dma_start3A = arith.constant 0 : i32
      %dma_start3A_28 = arith.constant 0 : i32
      %dma_start3A_29 = arith.constant 0 : i32
      %dma_start3A_30 = arith.constant 0 : i32
      %dma_start3A_31 = arith.constant 0 : i32
      %dma_start3A_32 = arith.constant 0 : i32
      %dma_start3A_33 = tpu.memref_slice %arg6[%dma_start3A_29, %dma_start3A_30, %dma_start3A_31, %dma_start3A_32] : memref<2x8x200x32xf32, #tpu.memory_space<vmem>> -> memref<1x1x200x32xf32, #tpu.memory_space<vmem>>
      %dma_start3A_34 = tpu.memref_squeeze %dma_start3A_33 : memref<1x1x200x32xf32, #tpu.memory_space<vmem>> -> memref<200x32xf32, #tpu.memory_space<vmem>>
      %dma_start3A_35 = arith.constant 0 : i32
      %dma_start3A_36 = tpu.memref_slice %arg5[%dma_start3A, %dma_start3A_28, %dma_start3A_35] : memref<2x8x200xi32, #tpu.memory_space<vmem>> -> memref<1x1x200xi32, #tpu.memory_space<vmem>>
      %dma_start3A_37 = tpu.memref_squeeze %dma_start3A_36 : memref<1x1x200xi32, #tpu.memory_space<vmem>> -> memref<200xi32, #tpu.memory_space<vmem>>
      %dma_start3A_38 = arith.constant 0 : i32
      %dma_start3A_39 = arith.constant 0 : i32
      %dma_start3A_40 = tpu.memref_slice %arg3[%dma_start3A_38, %dma_start3A_39] : memref<1000000x32xf32, #tpu.memory_space<hbm>> -> memref<1000000x32xf32, #tpu.memory_space<hbm>>
      tpu.enqueue_indirect_dma source(%dma_start3A_40 : memref<1000000x32xf32, #tpu.memory_space<hbm>>) target(%dma_start3A_34 : memref<200x32xf32, #tpu.memory_space<vmem>>) offsets(%dma_start3A_37 : memref<200xi32, #tpu.memory_space<vmem>>) semaphore(%arg7 : memref<!tpu.dma_semaphore, #tpu.memory_space<semaphore_mem>>)
      %dma_start3A_41 = arith.constant 0 : i32
      %dma_start3A_42 = arith.constant 1 : i32
      %dma_start3A_43 = arith.constant 0 : i32
      %dma_start3A_44 = arith.constant 1 : i32
      %dma_start3A_45 = arith.constant 0 : i32
      %dma_start3A_46 = arith.constant 0 : i32
      %dma_start3A_47 = tpu.memref_slice %arg6[%dma_start3A_43, %dma_start3A_44, %dma_start3A_45, %dma_start3A_46] : memref<2x8x200x32xf32, #tpu.memory_space<vmem>> -> memref<1x1x200x32xf32, #tpu.memory_space<vmem>>
      %dma_start3A_48 = tpu.memref_squeeze %dma_start3A_47 : memref<1x1x200x32xf32, #tpu.memory_space<vmem>> -> memref<200x32xf32, #tpu.memory_space<vmem>>
      %dma_start3A_49 = arith.constant 0 : i32
      %dma_start3A_50 = tpu.memref_slice %arg5[%dma_start3A_41, %dma_start3A_42, %dma_start3A_49] : memref<2x8x200xi32, #tpu.memory_space<vmem>> -> memref<1x1x200xi32, #tpu.memory_space<vmem>>
      %dma_start3A_51 = tpu.memref_squeeze %dma_start3A_50 : memref<1x1x200xi32, #tpu.memory_space<vmem>> -> memref<200xi32, #tpu.memory_space<vmem>>
      %dma_start3A_52 = arith.constant 0 : i32
      %dma_start3A_53 = arith.constant 0 : i32
      %dma_start3A_54 = tpu.memref_slice %arg3[%dma_start3A_52, %dma_start3A_53] : memref<1000000x32xf32, #tpu.memory_space<hbm>> -> memref<1000000x32xf32, #tpu.memory_space<hbm>>
      tpu.enqueue_indirect_dma source(%dma_start3A_54 : memref<1000000x32xf32, #tpu.memory_space<hbm>>) target(%dma_start3A_48 : memref<200x32xf32, #tpu.memory_space<vmem>>) offsets(%dma_start3A_51 : memref<200xi32, #tpu.memory_space<vmem>>) semaphore(%arg7 : memref<!tpu.dma_semaphore, #tpu.memory_space<semaphore_mem>>)
      %dma_start3A_55 = arith.constant 0 : i32
      %dma_start3A_56 = arith.constant 2 : i32
      %dma_start3A_57 = arith.constant 0 : i32
      %dma_start3A_58 = arith.constant 2 : i32
      %dma_start3A_59 = arith.constant 0 : i32
      %dma_start3A_60 = arith.constant 0 : i32
      %dma_start3A_61 = tpu.memref_slice %arg6[%dma_start3A_57, %dma_start3A_58, %dma_start3A_59, %dma_start3A_60] : memref<2x8x200x32xf32, #tpu.memory_space<vmem>> -> memref<1x1x200x32xf32, #tpu.memory_space<vmem>>
      %dma_start3A_62 = tpu.memref_squeeze %dma_start3A_61 : memref<1x1x200x32xf32, #tpu.memory_space<vmem>> -> memref<200x32xf32, #tpu.memory_space<vmem>>
      %dma_start3A_63 = arith.constant 0 : i32
      %dma_start3A_64 = tpu.memref_slice %arg5[%dma_start3A_55, %dma_start3A_56, %dma_start3A_63] : memref<2x8x200xi32, #tpu.memory_space<vmem>> -> memref<1x1x200xi32, #tpu.memory_space<vmem>>
      %dma_start3A_65 = tpu.memref_squeeze %dma_start3A_64 : memref<1x1x200xi32, #tpu.memory_space<vmem>> -> memref<200xi32, #tpu.memory_space<vmem>>
      %dma_start3A_66 = arith.constant 0 : i32
      %dma_start3A_67 = arith.constant 0 : i32
      %dma_start3A_68 = tpu.memref_slice %arg3[%dma_start3A_66, %dma_start3A_67] : memref<1000000x32xf32, #tpu.memory_space<hbm>> -> memref<1000000x32xf32, #tpu.memory_space<hbm>>
      tpu.enqueue_indirect_dma source(%dma_start3A_68 : memref<1000000x32xf32, #tpu.memory_space<hbm>>) target(%dma_start3A_62 : memref<200x32xf32, #tpu.memory_space<vmem>>) offsets(%dma_start3A_65 : memref<200xi32, #tpu.memory_space<vmem>>) semaphore(%arg7 : memref<!tpu.dma_semaphore, #tpu.memory_space<semaphore_mem>>)
      %dma_start3A_69 = arith.constant 0 : i32
      %dma_start3A_70 = arith.constant 3 : i32
      %dma_start3A_71 = arith.constant 0 : i32
      %dma_start3A_72 = arith.constant 3 : i32
      %dma_start3A_73 = arith.constant 0 : i32
      %dma_start3A_74 = arith.constant 0 : i32
      %dma_start3A_75 = tpu.memref_slice %arg6[%dma_start3A_71, %dma_start3A_72, %dma_start3A_73, %dma_start3A_74] : memref<2x8x200x32xf32, #tpu.memory_space<vmem>> -> memref<1x1x200x32xf32, #tpu.memory_space<vmem>>
      %dma_start3A_76 = tpu.memref_squeeze %dma_start3A_75 : memref<1x1x200x32xf32, #tpu.memory_space<vmem>> -> memref<200x32xf32, #tpu.memory_space<vmem>>
      %dma_start3A_77 = arith.constant 0 : i32
      %dma_start3A_78 = tpu.memref_slice %arg5[%dma_start3A_69, %dma_start3A_70, %dma_start3A_77] : memref<2x8x200xi32, #tpu.memory_space<vmem>> -> memref<1x1x200xi32, #tpu.memory_space<vmem>>
      %dma_start3A_79 = tpu.memref_squeeze %dma_start3A_78 : memref<1x1x200xi32, #tpu.memory_space<vmem>> -> memref<200xi32, #tpu.memory_space<vmem>>
      %dma_start3A_80 = arith.constant 0 : i32
      %dma_start3A_81 = arith.constant 0 : i32
      %dma_start3A_82 = tpu.memref_slice %arg3[%dma_start3A_80, %dma_start3A_81] : memref<1000000x32xf32, #tpu.memory_space<hbm>> -> memref<1000000x32xf32, #tpu.memory_space<hbm>>
      tpu.enqueue_indirect_dma source(%dma_start3A_82 : memref<1000000x32xf32, #tpu.memory_space<hbm>>) target(%dma_start3A_76 : memref<200x32xf32, #tpu.memory_space<vmem>>) offsets(%dma_start3A_79 : memref<200xi32, #tpu.memory_space<vmem>>) semaphore(%arg7 : memref<!tpu.dma_semaphore, #tpu.memory_space<semaphore_mem>>)
      %dma_start3A_83 = arith.constant 0 : i32
      %dma_start3A_84 = arith.constant 4 : i32
      %dma_start3A_85 = arith.constant 0 : i32
      %dma_start3A_86 = arith.constant 4 : i32
      %dma_start3A_87 = arith.constant 0 : i32
      %dma_start3A_88 = arith.constant 0 : i32
      %dma_start3A_89 = tpu.memref_slice %arg6[%dma_start3A_85, %dma_start3A_86, %dma_start3A_87, %dma_start3A_88] : memref<2x8x200x32xf32, #tpu.memory_space<vmem>> -> memref<1x1x200x32xf32, #tpu.memory_space<vmem>>
      %dma_start3A_90 = tpu.memref_squeeze %dma_start3A_89 : memref<1x1x200x32xf32, #tpu.memory_space<vmem>> -> memref<200x32xf32, #tpu.memory_space<vmem>>
      %dma_start3A_91 = arith.constant 0 : i32
      %dma_start3A_92 = tpu.memref_slice %arg5[%dma_start3A_83, %dma_start3A_84, %dma_start3A_91] : memref<2x8x200xi32, #tpu.memory_space<vmem>> -> memref<1x1x200xi32, #tpu.memory_space<vmem>>
      %dma_start3A_93 = tpu.memref_squeeze %dma_start3A_92 : memref<1x1x200xi32, #tpu.memory_space<vmem>> -> memref<200xi32, #tpu.memory_space<vmem>>
      %dma_start3A_94 = arith.constant 0 : i32
      %dma_start3A_95 = arith.constant 0 : i32
      %dma_start3A_96 = tpu.memref_slice %arg3[%dma_start3A_94, %dma_start3A_95] : memref<1000000x32xf32, #tpu.memory_space<hbm>> -> memref<1000000x32xf32, #tpu.memory_space<hbm>>
      tpu.enqueue_indirect_dma source(%dma_start3A_96 : memref<1000000x32xf32, #tpu.memory_space<hbm>>) target(%dma_start3A_90 : memref<200x32xf32, #tpu.memory_space<vmem>>) offsets(%dma_start3A_93 : memref<200xi32, #tpu.memory_space<vmem>>) semaphore(%arg7 : memref<!tpu.dma_semaphore, #tpu.memory_space<semaphore_mem>>)
      %dma_start3A_97 = arith.constant 0 : i32
      %dma_start3A_98 = arith.constant 5 : i32
      %dma_start3A_99 = arith.constant 0 : i32
      %dma_start3A_100 = arith.constant 5 : i32
      %dma_start3A_101 = arith.constant 0 : i32
      %dma_start3A_102 = arith.constant 0 : i32
      %dma_start3A_103 = tpu.memref_slice %arg6[%dma_start3A_99, %dma_start3A_100, %dma_start3A_101, %dma_start3A_102] : memref<2x8x200x32xf32, #tpu.memory_space<vmem>> -> memref<1x1x200x32xf32, #tpu.memory_space<vmem>>
      %dma_start3A_104 = tpu.memref_squeeze %dma_start3A_103 : memref<1x1x200x32xf32, #tpu.memory_space<vmem>> -> memref<200x32xf32, #tpu.memory_space<vmem>>
      %dma_start3A_105 = arith.constant 0 : i32
      %dma_start3A_106 = tpu.memref_slice %arg5[%dma_start3A_97, %dma_start3A_98, %dma_start3A_105] : memref<2x8x200xi32, #tpu.memory_space<vmem>> -> memref<1x1x200xi32, #tpu.memory_space<vmem>>
      %dma_start3A_107 = tpu.memref_squeeze %dma_start3A_106 : memref<1x1x200xi32, #tpu.memory_space<vmem>> -> memref<200xi32, #tpu.memory_space<vmem>>
      %dma_start3A_108 = arith.constant 0 : i32
      %dma_start3A_109 = arith.constant 0 : i32
      %dma_start3A_110 = tpu.memref_slice %arg3[%dma_start3A_108, %dma_start3A_109] : memref<1000000x32xf32, #tpu.memory_space<hbm>> -> memref<1000000x32xf32, #tpu.memory_space<hbm>>
      tpu.enqueue_indirect_dma source(%dma_start3A_110 : memref<1000000x32xf32, #tpu.memory_space<hbm>>) target(%dma_start3A_104 : memref<200x32xf32, #tpu.memory_space<vmem>>) offsets(%dma_start3A_107 : memref<200xi32, #tpu.memory_space<vmem>>) semaphore(%arg7 : memref<!tpu.dma_semaphore, #tpu.memory_space<semaphore_mem>>)
      %dma_start3A_111 = arith.constant 0 : i32
      %dma_start3A_112 = arith.constant 6 : i32
      %dma_start3A_113 = arith.constant 0 : i32
      %dma_start3A_114 = arith.constant 6 : i32
      %dma_start3A_115 = arith.constant 0 : i32
      %dma_start3A_116 = arith.constant 0 : i32
      %dma_start3A_117 = tpu.memref_slice %arg6[%dma_start3A_113, %dma_start3A_114, %dma_start3A_115, %dma_start3A_116] : memref<2x8x200x32xf32, #tpu.memory_space<vmem>> -> memref<1x1x200x32xf32, #tpu.memory_space<vmem>>
      %dma_start3A_118 = tpu.memref_squeeze %dma_start3A_117 : memref<1x1x200x32xf32, #tpu.memory_space<vmem>> -> memref<200x32xf32, #tpu.memory_space<vmem>>
      %dma_start3A_119 = arith.constant 0 : i32
      %dma_start3A_120 = tpu.memref_slice %arg5[%dma_start3A_111, %dma_start3A_112, %dma_start3A_119] : memref<2x8x200xi32, #tpu.memory_space<vmem>> -> memref<1x1x200xi32, #tpu.memory_space<vmem>>
      %dma_start3A_121 = tpu.memref_squeeze %dma_start3A_120 : memref<1x1x200xi32, #tpu.memory_space<vmem>> -> memref<200xi32, #tpu.memory_space<vmem>>
      %dma_start3A_122 = arith.constant 0 : i32
      %dma_start3A_123 = arith.constant 0 : i32
      %dma_start3A_124 = tpu.memref_slice %arg3[%dma_start3A_122, %dma_start3A_123] : memref<1000000x32xf32, #tpu.memory_space<hbm>> -> memref<1000000x32xf32, #tpu.memory_space<hbm>>
      tpu.enqueue_indirect_dma source(%dma_start3A_124 : memref<1000000x32xf32, #tpu.memory_space<hbm>>) target(%dma_start3A_118 : memref<200x32xf32, #tpu.memory_space<vmem>>) offsets(%dma_start3A_121 : memref<200xi32, #tpu.memory_space<vmem>>) semaphore(%arg7 : memref<!tpu.dma_semaphore, #tpu.memory_space<semaphore_mem>>)
      %dma_start3A_125 = arith.constant 0 : i32
      %dma_start3A_126 = arith.constant 7 : i32
      %dma_start3A_127 = arith.constant 0 : i32
      %dma_start3A_128 = arith.constant 7 : i32
      %dma_start3A_129 = arith.constant 0 : i32
      %dma_start3A_130 = arith.constant 0 : i32
      %dma_start3A_131 = tpu.memref_slice %arg6[%dma_start3A_127, %dma_start3A_128, %dma_start3A_129, %dma_start3A_130] : memref<2x8x200x32xf32, #tpu.memory_space<vmem>> -> memref<1x1x200x32xf32, #tpu.memory_space<vmem>>
      %dma_start3A_132 = tpu.memref_squeeze %dma_start3A_131 : memref<1x1x200x32xf32, #tpu.memory_space<vmem>> -> memref<200x32xf32, #tpu.memory_space<vmem>>
      %dma_start3A_133 = arith.constant 0 : i32
      %dma_start3A_134 = tpu.memref_slice %arg5[%dma_start3A_125, %dma_start3A_126, %dma_start3A_133] : memref<2x8x200xi32, #tpu.memory_space<vmem>> -> memref<1x1x200xi32, #tpu.memory_space<vmem>>
      %dma_start3A_135 = tpu.memref_squeeze %dma_start3A_134 : memref<1x1x200xi32, #tpu.memory_space<vmem>> -> memref<200xi32, #tpu.memory_space<vmem>>
      %dma_start3A_136 = arith.constant 0 : i32
      %dma_start3A_137 = arith.constant 0 : i32
      %dma_start3A_138 = tpu.memref_slice %arg3[%dma_start3A_136, %dma_start3A_137] : memref<1000000x32xf32, #tpu.memory_space<hbm>> -> memref<1000000x32xf32, #tpu.memory_space<hbm>>
      tpu.enqueue_indirect_dma source(%dma_start3A_138 : memref<1000000x32xf32, #tpu.memory_space<hbm>>) target(%dma_start3A_132 : memref<200x32xf32, #tpu.memory_space<vmem>>) offsets(%dma_start3A_135 : memref<200xi32, #tpu.memory_space<vmem>>) semaphore(%arg7 : memref<!tpu.dma_semaphore, #tpu.memory_space<semaphore_mem>>)
      %dma_wait3A = arith.constant 0 : i32
      %dma_wait3A_139 = arith.constant 0 : i32
      %dma_wait3A_140 = arith.constant 0 : i32
      %dma_wait3A_141 = arith.constant 0 : i32
      %dma_wait3A_142 = arith.constant 0 : i32
      %dma_wait3A_143 = arith.constant 0 : i32
      %dma_wait3A_144 = tpu.memref_slice %arg6[%dma_wait3A_140, %dma_wait3A_141, %dma_wait3A_142, %dma_wait3A_143] : memref<2x8x200x32xf32, #tpu.memory_space<vmem>> -> memref<1x1x200x32xf32, #tpu.memory_space<vmem>>
      %dma_wait3A_145 = tpu.memref_squeeze %dma_wait3A_144 : memref<1x1x200x32xf32, #tpu.memory_space<vmem>> -> memref<200x32xf32, #tpu.memory_space<vmem>>
      %dma_wait3A_146 = arith.constant 0 : i32
      %dma_wait3A_147 = tpu.memref_slice %arg5[%dma_wait3A, %dma_wait3A_139, %dma_wait3A_146] : memref<2x8x200xi32, #tpu.memory_space<vmem>> -> memref<1x1x200xi32, #tpu.memory_space<vmem>>
      %dma_wait3A_148 = tpu.memref_squeeze %dma_wait3A_147 : memref<1x1x200xi32, #tpu.memory_space<vmem>> -> memref<200xi32, #tpu.memory_space<vmem>>
      %dma_wait3A_149 = arith.constant 0 : i32
      %dma_wait3A_150 = arith.constant 0 : i32
      %dma_wait3A_151 = tpu.memref_slice %arg3[%dma_wait3A_149, %dma_wait3A_150] : memref<1000000x32xf32, #tpu.memory_space<hbm>> -> memref<1000000x32xf32, #tpu.memory_space<hbm>>
      tpu.wait_indirect_dma semaphore(%arg7 : memref<!tpu.dma_semaphore, #tpu.memory_space<semaphore_mem>>) src(%dma_wait3A_151 : memref<1000000x32xf32, #tpu.memory_space<hbm>>) dst(%dma_wait3A_145 : memref<200x32xf32, #tpu.memory_space<vmem>>)
      %dma_wait3A_152 = arith.constant 0 : i32
      %dma_wait3A_153 = arith.constant 1 : i32
      %dma_wait3A_154 = arith.constant 0 : i32
      %dma_wait3A_155 = arith.constant 1 : i32
      %dma_wait3A_156 = arith.constant 0 : i32
      %dma_wait3A_157 = arith.constant 0 : i32
      %dma_wait3A_158 = tpu.memref_slice %arg6[%dma_wait3A_154, %dma_wait3A_155, %dma_wait3A_156, %dma_wait3A_157] : memref<2x8x200x32xf32, #tpu.memory_space<vmem>> -> memref<1x1x200x32xf32, #tpu.memory_space<vmem>>
      %dma_wait3A_159 = tpu.memref_squeeze %dma_wait3A_158 : memref<1x1x200x32xf32, #tpu.memory_space<vmem>> -> memref<200x32xf32, #tpu.memory_space<vmem>>
      %dma_wait3A_160 = arith.constant 0 : i32
      %dma_wait3A_161 = tpu.memref_slice %arg5[%dma_wait3A_152, %dma_wait3A_153, %dma_wait3A_160] : memref<2x8x200xi32, #tpu.memory_space<vmem>> -> memref<1x1x200xi32, #tpu.memory_space<vmem>>
      %dma_wait3A_162 = tpu.memref_squeeze %dma_wait3A_161 : memref<1x1x200xi32, #tpu.memory_space<vmem>> -> memref<200xi32, #tpu.memory_space<vmem>>
      %dma_wait3A_163 = arith.constant 0 : i32
      %dma_wait3A_164 = arith.constant 0 : i32
      %dma_wait3A_165 = tpu.memref_slice %arg3[%dma_wait3A_163, %dma_wait3A_164] : memref<1000000x32xf32, #tpu.memory_space<hbm>> -> memref<1000000x32xf32, #tpu.memory_space<hbm>>
      tpu.wait_indirect_dma semaphore(%arg7 : memref<!tpu.dma_semaphore, #tpu.memory_space<semaphore_mem>>) src(%dma_wait3A_165 : memref<1000000x32xf32, #tpu.memory_space<hbm>>) dst(%dma_wait3A_159 : memref<200x32xf32, #tpu.memory_space<vmem>>)
      %dma_wait3A_166 = arith.constant 0 : i32
      %dma_wait3A_167 = arith.constant 2 : i32
      %dma_wait3A_168 = arith.constant 0 : i32
      %dma_wait3A_169 = arith.constant 2 : i32
      %dma_wait3A_170 = arith.constant 0 : i32
      %dma_wait3A_171 = arith.constant 0 : i32
      %dma_wait3A_172 = tpu.memref_slice %arg6[%dma_wait3A_168, %dma_wait3A_169, %dma_wait3A_170, %dma_wait3A_171] : memref<2x8x200x32xf32, #tpu.memory_space<vmem>> -> memref<1x1x200x32xf32, #tpu.memory_space<vmem>>
      %dma_wait3A_173 = tpu.memref_squeeze %dma_wait3A_172 : memref<1x1x200x32xf32, #tpu.memory_space<vmem>> -> memref<200x32xf32, #tpu.memory_space<vmem>>
      %dma_wait3A_174 = arith.constant 0 : i32
      %dma_wait3A_175 = tpu.memref_slice %arg5[%dma_wait3A_166, %dma_wait3A_167, %dma_wait3A_174] : memref<2x8x200xi32, #tpu.memory_space<vmem>> -> memref<1x1x200xi32, #tpu.memory_space<vmem>>
      %dma_wait3A_176 = tpu.memref_squeeze %dma_wait3A_175 : memref<1x1x200xi32, #tpu.memory_space<vmem>> -> memref<200xi32, #tpu.memory_space<vmem>>
      %dma_wait3A_177 = arith.constant 0 : i32
      %dma_wait3A_178 = arith.constant 0 : i32
      %dma_wait3A_179 = tpu.memref_slice %arg3[%dma_wait3A_177, %dma_wait3A_178] : memref<1000000x32xf32, #tpu.memory_space<hbm>> -> memref<1000000x32xf32, #tpu.memory_space<hbm>>
      tpu.wait_indirect_dma semaphore(%arg7 : memref<!tpu.dma_semaphore, #tpu.memory_space<semaphore_mem>>) src(%dma_wait3A_179 : memref<1000000x32xf32, #tpu.memory_space<hbm>>) dst(%dma_wait3A_173 : memref<200x32xf32, #tpu.memory_space<vmem>>)
      %dma_wait3A_180 = arith.constant 0 : i32
      %dma_wait3A_181 = arith.constant 3 : i32
      %dma_wait3A_182 = arith.constant 0 : i32
      %dma_wait3A_183 = arith.constant 3 : i32
      %dma_wait3A_184 = arith.constant 0 : i32
      %dma_wait3A_185 = arith.constant 0 : i32
      %dma_wait3A_186 = tpu.memref_slice %arg6[%dma_wait3A_182, %dma_wait3A_183, %dma_wait3A_184, %dma_wait3A_185] : memref<2x8x200x32xf32, #tpu.memory_space<vmem>> -> memref<1x1x200x32xf32, #tpu.memory_space<vmem>>
      %dma_wait3A_187 = tpu.memref_squeeze %dma_wait3A_186 : memref<1x1x200x32xf32, #tpu.memory_space<vmem>> -> memref<200x32xf32, #tpu.memory_space<vmem>>
      %dma_wait3A_188 = arith.constant 0 : i32
      %dma_wait3A_189 = tpu.memref_slice %arg5[%dma_wait3A_180, %dma_wait3A_181, %dma_wait3A_188] : memref<2x8x200xi32, #tpu.memory_space<vmem>> -> memref<1x1x200xi32, #tpu.memory_space<vmem>>
      %dma_wait3A_190 = tpu.memref_squeeze %dma_wait3A_189 : memref<1x1x200xi32, #tpu.memory_space<vmem>> -> memref<200xi32, #tpu.memory_space<vmem>>
      %dma_wait3A_191 = arith.constant 0 : i32
      %dma_wait3A_192 = arith.constant 0 : i32
      %dma_wait3A_193 = tpu.memref_slice %arg3[%dma_wait3A_191, %dma_wait3A_192] : memref<1000000x32xf32, #tpu.memory_space<hbm>> -> memref<1000000x32xf32, #tpu.memory_space<hbm>>
      tpu.wait_indirect_dma semaphore(%arg7 : memref<!tpu.dma_semaphore, #tpu.memory_space<semaphore_mem>>) src(%dma_wait3A_193 : memref<1000000x32xf32, #tpu.memory_space<hbm>>) dst(%dma_wait3A_187 : memref<200x32xf32, #tpu.memory_space<vmem>>)
      %dma_wait3A_194 = arith.constant 0 : i32
      %dma_wait3A_195 = arith.constant 4 : i32
      %dma_wait3A_196 = arith.constant 0 : i32
      %dma_wait3A_197 = arith.constant 4 : i32
      %dma_wait3A_198 = arith.constant 0 : i32
      %dma_wait3A_199 = arith.constant 0 : i32
      %dma_wait3A_200 = tpu.memref_slice %arg6[%dma_wait3A_196, %dma_wait3A_197, %dma_wait3A_198, %dma_wait3A_199] : memref<2x8x200x32xf32, #tpu.memory_space<vmem>> -> memref<1x1x200x32xf32, #tpu.memory_space<vmem>>
      %dma_wait3A_201 = tpu.memref_squeeze %dma_wait3A_200 : memref<1x1x200x32xf32, #tpu.memory_space<vmem>> -> memref<200x32xf32, #tpu.memory_space<vmem>>
      %dma_wait3A_202 = arith.constant 0 : i32
      %dma_wait3A_203 = tpu.memref_slice %arg5[%dma_wait3A_194, %dma_wait3A_195, %dma_wait3A_202] : memref<2x8x200xi32, #tpu.memory_space<vmem>> -> memref<1x1x200xi32, #tpu.memory_space<vmem>>
      %dma_wait3A_204 = tpu.memref_squeeze %dma_wait3A_203 : memref<1x1x200xi32, #tpu.memory_space<vmem>> -> memref<200xi32, #tpu.memory_space<vmem>>
      %dma_wait3A_205 = arith.constant 0 : i32
      %dma_wait3A_206 = arith.constant 0 : i32
      %dma_wait3A_207 = tpu.memref_slice %arg3[%dma_wait3A_205, %dma_wait3A_206] : memref<1000000x32xf32, #tpu.memory_space<hbm>> -> memref<1000000x32xf32, #tpu.memory_space<hbm>>
      tpu.wait_indirect_dma semaphore(%arg7 : memref<!tpu.dma_semaphore, #tpu.memory_space<semaphore_mem>>) src(%dma_wait3A_207 : memref<1000000x32xf32, #tpu.memory_space<hbm>>) dst(%dma_wait3A_201 : memref<200x32xf32, #tpu.memory_space<vmem>>)
      %dma_wait3A_208 = arith.constant 0 : i32
      %dma_wait3A_209 = arith.constant 5 : i32
      %dma_wait3A_210 = arith.constant 0 : i32
      %dma_wait3A_211 = arith.constant 5 : i32
      %dma_wait3A_212 = arith.constant 0 : i32
      %dma_wait3A_213 = arith.constant 0 : i32
      %dma_wait3A_214 = tpu.memref_slice %arg6[%dma_wait3A_210, %dma_wait3A_211, %dma_wait3A_212, %dma_wait3A_213] : memref<2x8x200x32xf32, #tpu.memory_space<vmem>> -> memref<1x1x200x32xf32, #tpu.memory_space<vmem>>
      %dma_wait3A_215 = tpu.memref_squeeze %dma_wait3A_214 : memref<1x1x200x32xf32, #tpu.memory_space<vmem>> -> memref<200x32xf32, #tpu.memory_space<vmem>>
      %dma_wait3A_216 = arith.constant 0 : i32
      %dma_wait3A_217 = tpu.memref_slice %arg5[%dma_wait3A_208, %dma_wait3A_209, %dma_wait3A_216] : memref<2x8x200xi32, #tpu.memory_space<vmem>> -> memref<1x1x200xi32, #tpu.memory_space<vmem>>
      %dma_wait3A_218 = tpu.memref_squeeze %dma_wait3A_217 : memref<1x1x200xi32, #tpu.memory_space<vmem>> -> memref<200xi32, #tpu.memory_space<vmem>>
      %dma_wait3A_219 = arith.constant 0 : i32
      %dma_wait3A_220 = arith.constant 0 : i32
      %dma_wait3A_221 = tpu.memref_slice %arg3[%dma_wait3A_219, %dma_wait3A_220] : memref<1000000x32xf32, #tpu.memory_space<hbm>> -> memref<1000000x32xf32, #tpu.memory_space<hbm>>
      tpu.wait_indirect_dma semaphore(%arg7 : memref<!tpu.dma_semaphore, #tpu.memory_space<semaphore_mem>>) src(%dma_wait3A_221 : memref<1000000x32xf32, #tpu.memory_space<hbm>>) dst(%dma_wait3A_215 : memref<200x32xf32, #tpu.memory_space<vmem>>)
      %dma_wait3A_222 = arith.constant 0 : i32
      %dma_wait3A_223 = arith.constant 6 : i32
      %dma_wait3A_224 = arith.constant 0 : i32
      %dma_wait3A_225 = arith.constant 6 : i32
      %dma_wait3A_226 = arith.constant 0 : i32
      %dma_wait3A_227 = arith.constant 0 : i32
      %dma_wait3A_228 = tpu.memref_slice %arg6[%dma_wait3A_224, %dma_wait3A_225, %dma_wait3A_226, %dma_wait3A_227] : memref<2x8x200x32xf32, #tpu.memory_space<vmem>> -> memref<1x1x200x32xf32, #tpu.memory_space<vmem>>
      %dma_wait3A_229 = tpu.memref_squeeze %dma_wait3A_228 : memref<1x1x200x32xf32, #tpu.memory_space<vmem>> -> memref<200x32xf32, #tpu.memory_space<vmem>>
      %dma_wait3A_230 = arith.constant 0 : i32
      %dma_wait3A_231 = tpu.memref_slice %arg5[%dma_wait3A_222, %dma_wait3A_223, %dma_wait3A_230] : memref<2x8x200xi32, #tpu.memory_space<vmem>> -> memref<1x1x200xi32, #tpu.memory_space<vmem>>
      %dma_wait3A_232 = tpu.memref_squeeze %dma_wait3A_231 : memref<1x1x200xi32, #tpu.memory_space<vmem>> -> memref<200xi32, #tpu.memory_space<vmem>>
      %dma_wait3A_233 = arith.constant 0 : i32
      %dma_wait3A_234 = arith.constant 0 : i32
      %dma_wait3A_235 = tpu.memref_slice %arg3[%dma_wait3A_233, %dma_wait3A_234] : memref<1000000x32xf32, #tpu.memory_space<hbm>> -> memref<1000000x32xf32, #tpu.memory_space<hbm>>
      tpu.wait_indirect_dma semaphore(%arg7 : memref<!tpu.dma_semaphore, #tpu.memory_space<semaphore_mem>>) src(%dma_wait3A_235 : memref<1000000x32xf32, #tpu.memory_space<hbm>>) dst(%dma_wait3A_229 : memref<200x32xf32, #tpu.memory_space<vmem>>)
      %dma_wait3A_236 = arith.constant 0 : i32
      %dma_wait3A_237 = arith.constant 7 : i32
      %dma_wait3A_238 = arith.constant 0 : i32
      %dma_wait3A_239 = arith.constant 7 : i32
      %dma_wait3A_240 = arith.constant 0 : i32
      %dma_wait3A_241 = arith.constant 0 : i32
      %dma_wait3A_242 = tpu.memref_slice %arg6[%dma_wait3A_238, %dma_wait3A_239, %dma_wait3A_240, %dma_wait3A_241] : memref<2x8x200x32xf32, #tpu.memory_space<vmem>> -> memref<1x1x200x32xf32, #tpu.memory_space<vmem>>
      %dma_wait3A_243 = tpu.memref_squeeze %dma_wait3A_242 : memref<1x1x200x32xf32, #tpu.memory_space<vmem>> -> memref<200x32xf32, #tpu.memory_space<vmem>>
      %dma_wait3A_244 = arith.constant 0 : i32
      %dma_wait3A_245 = tpu.memref_slice %arg5[%dma_wait3A_236, %dma_wait3A_237, %dma_wait3A_244] : memref<2x8x200xi32, #tpu.memory_space<vmem>> -> memref<1x1x200xi32, #tpu.memory_space<vmem>>
      %dma_wait3A_246 = tpu.memref_squeeze %dma_wait3A_245 : memref<1x1x200xi32, #tpu.memory_space<vmem>> -> memref<200xi32, #tpu.memory_space<vmem>>
      %dma_wait3A_247 = arith.constant 0 : i32
      %dma_wait3A_248 = arith.constant 0 : i32
      %dma_wait3A_249 = tpu.memref_slice %arg3[%dma_wait3A_247, %dma_wait3A_248] : memref<1000000x32xf32, #tpu.memory_space<hbm>> -> memref<1000000x32xf32, #tpu.memory_space<hbm>>
      tpu.wait_indirect_dma semaphore(%arg7 : memref<!tpu.dma_semaphore, #tpu.memory_space<semaphore_mem>>) src(%dma_wait3A_249 : memref<1000000x32xf32, #tpu.memory_space<hbm>>) dst(%dma_wait3A_243 : memref<200x32xf32, #tpu.memory_space<vmem>>)
      %scan3A_250 = arith.constant 0 : i32
      %scan3A_251 = arith.constant 0 : i32
      %scan3A_252 = arith.constant 50 : i32
      %scan3A_253 = arith.addi %scan3A_251, %scan3A_252 : i32
      %scan3A_254 = arith.constant 1 : i32
      scf.for %scan3A_499 = %scan3A_251 to %scan3A_253 step %scan3A_254  : i32 {
        %mul3A_500 = arith.constant 4 : i32
        %mul3A_501 = arith.muli %mul3A_500, %scan3A_499 : i32
        %dma_start3A_502 = arith.constant 0 : i32
        %dma_start3A_503 = arith.constant 0 : i32
        %dma_start3A_504 = arith.constant 0 : i32
        %dma_start3A_505 = tpu.memref_slice %arg6[%dma_start3A_502, %dma_start3A_503, %mul3A_501, %dma_start3A_504] : memref<2x8x200x32xf32, #tpu.memory_space<vmem>> -> memref<1x8x4x32xf32, #tpu.memory_space<vmem>>
        %dma_start3A_506 = tpu.memref_squeeze %dma_start3A_505 : memref<1x8x4x32xf32, #tpu.memory_space<vmem>> -> memref<8x4x32xf32, #tpu.memory_space<vmem>>
        %dma_start3A_507 = arith.constant 0 : i32
        %dma_start3A_508 = arith.constant 0 : i32
        %dma_start3A_509 = tpu.memref_slice %arg4[%scan3A_499, %add3A_25, %dma_start3A_507, %dma_start3A_508] : memref<50x16384x4x32xf32, #tpu.memory_space<hbm>> -> memref<1x8x4x32xf32, #tpu.memory_space<hbm>>
        %dma_start3A_510 = tpu.memref_squeeze %dma_start3A_509 : memref<1x8x4x32xf32, #tpu.memory_space<hbm>> -> memref<8x4x32xf32, #tpu.memory_space<hbm>>
        %dma_start3A_511 = arith.constant 0 : i32
        %dma_start3A_512 = arith.constant 0 : i32
        %dma_start3A_513 = tpu.memref_slice %arg4[%scan3A_499, %add3A_25, %dma_start3A_511, %dma_start3A_512] : memref<50x16384x4x32xf32, #tpu.memory_space<hbm>> -> memref<1x8x4x32xf32, #tpu.memory_space<hbm>>
        %dma_start3A_514 = tpu.memref_squeeze %dma_start3A_513 : memref<1x8x4x32xf32, #tpu.memory_space<hbm>> -> memref<8x4x32xf32, #tpu.memory_space<hbm>>
        %dma_start3A_515 = arith.constant 0 : i32
        %dma_start3A_516 = arith.constant 0 : i32
        %dma_start3A_517 = tpu.memref_slice %arg6[%dma_start3A_502, %dma_start3A_515, %mul3A_501, %dma_start3A_516] : memref<2x8x200x32xf32, #tpu.memory_space<vmem>> -> memref<1x8x4x32xf32, #tpu.memory_space<vmem>>
        %dma_start3A_518 = tpu.memref_squeeze %dma_start3A_517 : memref<1x8x4x32xf32, #tpu.memory_space<vmem>> -> memref<8x4x32xf32, #tpu.memory_space<vmem>>
        tpu.enqueue_dma source(%dma_start3A_518 : memref<8x4x32xf32, #tpu.memory_space<vmem>>) target(%dma_start3A_514 : memref<8x4x32xf32, #tpu.memory_space<hbm>>) target_semaphore(%arg8 : memref<!tpu.dma_semaphore, #tpu.memory_space<semaphore_mem>>)
      }
      %scan3A_255 = arith.constant 50 : i32
      %mul3A_256 = arith.constant 2 : i32
      %mul3A_257 = arith.muli %scan3A_20, %mul3A_256 : i32
      %add3A_258 = arith.constant 1 : i32
      %add3A_259 = arith.addi %mul3A_257, %add3A_258 : i32
      %mul3A_260 = arith.constant 8 : i32
      %mul3A_261 = arith.muli %add3A_259, %mul3A_260 : i32
      %add3A_262 = arith.addi %mul3A_2, %mul3A_261 : i32
      %run_scoped3A_263 = arith.constant 1 : i32
      "tpu.region"() ({
        %run_scoped3A_499 = tpu.sem_alloc : memref<!tpu.dma_semaphore, #tpu.memory_space<semaphore_mem>>
        %dma_start3A_500 = arith.constant 0 : i32
        %dma_start3A_501 = arith.constant 0 : i32
        %dma_start3A_502 = tpu.memref_slice %arg5[%run_scoped3A_263, %dma_start3A_500, %dma_start3A_501] : memref<2x8x200xi32, #tpu.memory_space<vmem>> -> memref<1x8x200xi32, #tpu.memory_space<vmem>>
        %dma_start3A_503 = tpu.memref_squeeze %dma_start3A_502 : memref<1x8x200xi32, #tpu.memory_space<vmem>> -> memref<8x200xi32, #tpu.memory_space<vmem>>
        %dma_start3A_504 = arith.constant 0 : i32
        %dma_start3A_505 = tpu.memref_slice %arg2[%add3A_262, %dma_start3A_504] : memref<16384x200xi32, #tpu.memory_space<hbm>> -> memref<8x200xi32, #tpu.memory_space<hbm>>
        %dma_start3A_506 = arith.constant 0 : i32
        %dma_start3A_507 = arith.constant 0 : i32
        %dma_start3A_508 = tpu.memref_slice %arg5[%run_scoped3A_263, %dma_start3A_506, %dma_start3A_507] : memref<2x8x200xi32, #tpu.memory_space<vmem>> -> memref<1x8x200xi32, #tpu.memory_space<vmem>>
        %dma_start3A_509 = tpu.memref_squeeze %dma_start3A_508 : memref<1x8x200xi32, #tpu.memory_space<vmem>> -> memref<8x200xi32, #tpu.memory_space<vmem>>
        %dma_start3A_510 = arith.constant 0 : i32
        %dma_start3A_511 = tpu.memref_slice %arg2[%add3A_262, %dma_start3A_510] : memref<16384x200xi32, #tpu.memory_space<hbm>> -> memref<8x200xi32, #tpu.memory_space<hbm>>
        tpu.enqueue_dma source(%dma_start3A_511 : memref<8x200xi32, #tpu.memory_space<hbm>>) target(%dma_start3A_509 : memref<8x200xi32, #tpu.memory_space<vmem>>) target_semaphore(%run_scoped3A_499 : memref<!tpu.dma_semaphore, #tpu.memory_space<semaphore_mem>>)
        %dma_wait3A_512 = arith.constant 0 : i32
        %dma_wait3A_513 = arith.constant 0 : i32
        %dma_wait3A_514 = tpu.memref_slice %arg5[%run_scoped3A_263, %dma_wait3A_512, %dma_wait3A_513] : memref<2x8x200xi32, #tpu.memory_space<vmem>> -> memref<1x8x200xi32, #tpu.memory_space<vmem>>
        %dma_wait3A_515 = tpu.memref_squeeze %dma_wait3A_514 : memref<1x8x200xi32, #tpu.memory_space<vmem>> -> memref<8x200xi32, #tpu.memory_space<vmem>>
        %dma_wait3A_516 = arith.constant 0 : i32
        %dma_wait3A_517 = tpu.memref_slice %arg2[%add3A_262, %dma_wait3A_516] : memref<16384x200xi32, #tpu.memory_space<hbm>> -> memref<8x200xi32, #tpu.memory_space<hbm>>
        %dma_wait3A_518 = arith.constant 0 : i32
        %dma_wait3A_519 = arith.constant 0 : i32
        %dma_wait3A_520 = tpu.memref_slice %arg5[%run_scoped3A_263, %dma_wait3A_518, %dma_wait3A_519] : memref<2x8x200xi32, #tpu.memory_space<vmem>> -> memref<1x8x200xi32, #tpu.memory_space<vmem>>
        %dma_wait3A_521 = tpu.memref_squeeze %dma_wait3A_520 : memref<1x8x200xi32, #tpu.memory_space<vmem>> -> memref<8x200xi32, #tpu.memory_space<vmem>>
        %dma_wait3A_522 = arith.constant 0 : i32
        %dma_wait3A_523 = tpu.memref_slice %arg2[%add3A_262, %dma_wait3A_522] : memref<16384x200xi32, #tpu.memory_space<hbm>> -> memref<8x200xi32, #tpu.memory_space<hbm>>
        tpu.wait_dma2 semaphore(%run_scoped3A_499 : memref<!tpu.dma_semaphore, #tpu.memory_space<semaphore_mem>>) src(%dma_wait3A_523 : memref<8x200xi32, #tpu.memory_space<hbm>>) dst(%dma_wait3A_521 : memref<8x200xi32, #tpu.memory_space<vmem>>)
        tpu.yield
      }) : () -> ()
      %ge3A_264 = arith.constant 2 : i32
      %ge3A_265 = arith.cmpi sge, %add3A_259, %ge3A_264 : i32
      %convert_element_type3A_266 = arith.extui %ge3A_265 : i1 to i32
      %cond3A_267 = arith.constant 0 : i32
      %cond3A_268 = arith.cmpi ne, %convert_element_type3A_266, %cond3A_267 : i32
      scf.if %cond3A_268 {
        %scan3A_499 = arith.constant 0 : i32
        %scan3A_500 = arith.constant 0 : i32
        %scan3A_501 = arith.constant 50 : i32
        %scan3A_502 = arith.addi %scan3A_500, %scan3A_501 : i32
        %scan3A_503 = arith.constant 1 : i32
        scf.for %scan3A_505 = %scan3A_500 to %scan3A_502 step %scan3A_503  : i32 {
          %mul3A_506 = arith.constant 4 : i32
          %mul3A_507 = arith.muli %mul3A_506, %scan3A_505 : i32
          %dma_wait3A_508 = arith.constant 1 : i32
          %dma_wait3A_509 = arith.constant 0 : i32
          %dma_wait3A_510 = arith.constant 0 : i32
          %dma_wait3A_511 = arith.constant 0 : i32
          %dma_wait3A_512 = tpu.memref_slice %arg6[%dma_wait3A_508, %dma_wait3A_510, %mul3A_507, %dma_wait3A_511] : memref<2x8x200x32xf32, #tpu.memory_space<vmem>> -> memref<1x8x4x32xf32, #tpu.memory_space<vmem>>
          %dma_wait3A_513 = tpu.memref_squeeze %dma_wait3A_512 : memref<1x8x4x32xf32, #tpu.memory_space<vmem>> -> memref<8x4x32xf32, #tpu.memory_space<vmem>>
          %dma_wait3A_514 = arith.constant 0 : i32
          %dma_wait3A_515 = arith.constant 0 : i32
          %dma_wait3A_516 = tpu.memref_slice %arg4[%dma_wait3A_509, %add3A_262, %dma_wait3A_514, %dma_wait3A_515] : memref<50x16384x4x32xf32, #tpu.memory_space<hbm>> -> memref<1x8x4x32xf32, #tpu.memory_space<hbm>>
          %dma_wait3A_517 = tpu.memref_squeeze %dma_wait3A_516 : memref<1x8x4x32xf32, #tpu.memory_space<hbm>> -> memref<8x4x32xf32, #tpu.memory_space<hbm>>
          %dma_wait3A_518 = arith.constant 0 : i32
          %dma_wait3A_519 = arith.constant 0 : i32
          %dma_wait3A_520 = tpu.memref_slice %arg4[%dma_wait3A_509, %add3A_262, %dma_wait3A_518, %dma_wait3A_519] : memref<50x16384x4x32xf32, #tpu.memory_space<hbm>> -> memref<1x8x4x32xf32, #tpu.memory_space<hbm>>
          %dma_wait3A_521 = tpu.memref_squeeze %dma_wait3A_520 : memref<1x8x4x32xf32, #tpu.memory_space<hbm>> -> memref<8x4x32xf32, #tpu.memory_space<hbm>>
          %dma_wait3A_522 = arith.constant 0 : i32
          %dma_wait3A_523 = arith.constant 0 : i32
          %dma_wait3A_524 = tpu.memref_slice %arg6[%dma_wait3A_508, %dma_wait3A_522, %mul3A_507, %dma_wait3A_523] : memref<2x8x200x32xf32, #tpu.memory_space<vmem>> -> memref<1x8x4x32xf32, #tpu.memory_space<vmem>>
          %dma_wait3A_525 = tpu.memref_squeeze %dma_wait3A_524 : memref<1x8x4x32xf32, #tpu.memory_space<vmem>> -> memref<8x4x32xf32, #tpu.memory_space<vmem>>
          tpu.wait_dma2 semaphore(%arg9 : memref<!tpu.dma_semaphore, #tpu.memory_space<semaphore_mem>>) src(%dma_wait3A_525 : memref<8x4x32xf32, #tpu.memory_space<vmem>>) dst(%dma_wait3A_521 : memref<8x4x32xf32, #tpu.memory_space<hbm>>)
        }
        %scan3A_504 = arith.constant 50 : i32
      } else {
      }
      %dma_start3A_269 = arith.constant 1 : i32
      %dma_start3A_270 = arith.constant 0 : i32
      %dma_start3A_271 = arith.constant 1 : i32
      %dma_start3A_272 = arith.constant 0 : i32
      %dma_start3A_273 = arith.constant 0 : i32
      %dma_start3A_274 = arith.constant 0 : i32
      %dma_start3A_275 = tpu.memref_slice %arg6[%dma_start3A_271, %dma_start3A_272, %dma_start3A_273, %dma_start3A_274] : memref<2x8x200x32xf32, #tpu.memory_space<vmem>> -> memref<1x1x200x32xf32, #tpu.memory_space<vmem>>
      %dma_start3A_276 = tpu.memref_squeeze %dma_start3A_275 : memref<1x1x200x32xf32, #tpu.memory_space<vmem>> -> memref<200x32xf32, #tpu.memory_space<vmem>>
      %dma_start3A_277 = arith.constant 0 : i32
      %dma_start3A_278 = tpu.memref_slice %arg5[%dma_start3A_269, %dma_start3A_270, %dma_start3A_277] : memref<2x8x200xi32, #tpu.memory_space<vmem>> -> memref<1x1x200xi32, #tpu.memory_space<vmem>>
      %dma_start3A_279 = tpu.memref_squeeze %dma_start3A_278 : memref<1x1x200xi32, #tpu.memory_space<vmem>> -> memref<200xi32, #tpu.memory_space<vmem>>
      %dma_start3A_280 = arith.constant 0 : i32
      %dma_start3A_281 = arith.constant 0 : i32
      %dma_start3A_282 = tpu.memref_slice %arg3[%dma_start3A_280, %dma_start3A_281] : memref<1000000x32xf32, #tpu.memory_space<hbm>> -> memref<1000000x32xf32, #tpu.memory_space<hbm>>
      tpu.enqueue_indirect_dma source(%dma_start3A_282 : memref<1000000x32xf32, #tpu.memory_space<hbm>>) target(%dma_start3A_276 : memref<200x32xf32, #tpu.memory_space<vmem>>) offsets(%dma_start3A_279 : memref<200xi32, #tpu.memory_space<vmem>>) semaphore(%arg7 : memref<!tpu.dma_semaphore, #tpu.memory_space<semaphore_mem>>)
      %dma_start3A_283 = arith.constant 1 : i32
      %dma_start3A_284 = arith.constant 1 : i32
      %dma_start3A_285 = arith.constant 1 : i32
      %dma_start3A_286 = arith.constant 1 : i32
      %dma_start3A_287 = arith.constant 0 : i32
      %dma_start3A_288 = arith.constant 0 : i32
      %dma_start3A_289 = tpu.memref_slice %arg6[%dma_start3A_285, %dma_start3A_286, %dma_start3A_287, %dma_start3A_288] : memref<2x8x200x32xf32, #tpu.memory_space<vmem>> -> memref<1x1x200x32xf32, #tpu.memory_space<vmem>>
      %dma_start3A_290 = tpu.memref_squeeze %dma_start3A_289 : memref<1x1x200x32xf32, #tpu.memory_space<vmem>> -> memref<200x32xf32, #tpu.memory_space<vmem>>
      %dma_start3A_291 = arith.constant 0 : i32
      %dma_start3A_292 = tpu.memref_slice %arg5[%dma_start3A_283, %dma_start3A_284, %dma_start3A_291] : memref<2x8x200xi32, #tpu.memory_space<vmem>> -> memref<1x1x200xi32, #tpu.memory_space<vmem>>
      %dma_start3A_293 = tpu.memref_squeeze %dma_start3A_292 : memref<1x1x200xi32, #tpu.memory_space<vmem>> -> memref<200xi32, #tpu.memory_space<vmem>>
      %dma_start3A_294 = arith.constant 0 : i32
      %dma_start3A_295 = arith.constant 0 : i32
      %dma_start3A_296 = tpu.memref_slice %arg3[%dma_start3A_294, %dma_start3A_295] : memref<1000000x32xf32, #tpu.memory_space<hbm>> -> memref<1000000x32xf32, #tpu.memory_space<hbm>>
      tpu.enqueue_indirect_dma source(%dma_start3A_296 : memref<1000000x32xf32, #tpu.memory_space<hbm>>) target(%dma_start3A_290 : memref<200x32xf32, #tpu.memory_space<vmem>>) offsets(%dma_start3A_293 : memref<200xi32, #tpu.memory_space<vmem>>) semaphore(%arg7 : memref<!tpu.dma_semaphore, #tpu.memory_space<semaphore_mem>>)
      %dma_start3A_297 = arith.constant 1 : i32
      %dma_start3A_298 = arith.constant 2 : i32
      %dma_start3A_299 = arith.constant 1 : i32
      %dma_start3A_300 = arith.constant 2 : i32
      %dma_start3A_301 = arith.constant 0 : i32
      %dma_start3A_302 = arith.constant 0 : i32
      %dma_start3A_303 = tpu.memref_slice %arg6[%dma_start3A_299, %dma_start3A_300, %dma_start3A_301, %dma_start3A_302] : memref<2x8x200x32xf32, #tpu.memory_space<vmem>> -> memref<1x1x200x32xf32, #tpu.memory_space<vmem>>
      %dma_start3A_304 = tpu.memref_squeeze %dma_start3A_303 : memref<1x1x200x32xf32, #tpu.memory_space<vmem>> -> memref<200x32xf32, #tpu.memory_space<vmem>>
      %dma_start3A_305 = arith.constant 0 : i32
      %dma_start3A_306 = tpu.memref_slice %arg5[%dma_start3A_297, %dma_start3A_298, %dma_start3A_305] : memref<2x8x200xi32, #tpu.memory_space<vmem>> -> memref<1x1x200xi32, #tpu.memory_space<vmem>>
      %dma_start3A_307 = tpu.memref_squeeze %dma_start3A_306 : memref<1x1x200xi32, #tpu.memory_space<vmem>> -> memref<200xi32, #tpu.memory_space<vmem>>
      %dma_start3A_308 = arith.constant 0 : i32
      %dma_start3A_309 = arith.constant 0 : i32
      %dma_start3A_310 = tpu.memref_slice %arg3[%dma_start3A_308, %dma_start3A_309] : memref<1000000x32xf32, #tpu.memory_space<hbm>> -> memref<1000000x32xf32, #tpu.memory_space<hbm>>
      tpu.enqueue_indirect_dma source(%dma_start3A_310 : memref<1000000x32xf32, #tpu.memory_space<hbm>>) target(%dma_start3A_304 : memref<200x32xf32, #tpu.memory_space<vmem>>) offsets(%dma_start3A_307 : memref<200xi32, #tpu.memory_space<vmem>>) semaphore(%arg7 : memref<!tpu.dma_semaphore, #tpu.memory_space<semaphore_mem>>)
      %dma_start3A_311 = arith.constant 1 : i32
      %dma_start3A_312 = arith.constant 3 : i32
      %dma_start3A_313 = arith.constant 1 : i32
      %dma_start3A_314 = arith.constant 3 : i32
      %dma_start3A_315 = arith.constant 0 : i32
      %dma_start3A_316 = arith.constant 0 : i32
      %dma_start3A_317 = tpu.memref_slice %arg6[%dma_start3A_313, %dma_start3A_314, %dma_start3A_315, %dma_start3A_316] : memref<2x8x200x32xf32, #tpu.memory_space<vmem>> -> memref<1x1x200x32xf32, #tpu.memory_space<vmem>>
      %dma_start3A_318 = tpu.memref_squeeze %dma_start3A_317 : memref<1x1x200x32xf32, #tpu.memory_space<vmem>> -> memref<200x32xf32, #tpu.memory_space<vmem>>
      %dma_start3A_319 = arith.constant 0 : i32
      %dma_start3A_320 = tpu.memref_slice %arg5[%dma_start3A_311, %dma_start3A_312, %dma_start3A_319] : memref<2x8x200xi32, #tpu.memory_space<vmem>> -> memref<1x1x200xi32, #tpu.memory_space<vmem>>
      %dma_start3A_321 = tpu.memref_squeeze %dma_start3A_320 : memref<1x1x200xi32, #tpu.memory_space<vmem>> -> memref<200xi32, #tpu.memory_space<vmem>>
      %dma_start3A_322 = arith.constant 0 : i32
      %dma_start3A_323 = arith.constant 0 : i32
      %dma_start3A_324 = tpu.memref_slice %arg3[%dma_start3A_322, %dma_start3A_323] : memref<1000000x32xf32, #tpu.memory_space<hbm>> -> memref<1000000x32xf32, #tpu.memory_space<hbm>>
      tpu.enqueue_indirect_dma source(%dma_start3A_324 : memref<1000000x32xf32, #tpu.memory_space<hbm>>) target(%dma_start3A_318 : memref<200x32xf32, #tpu.memory_space<vmem>>) offsets(%dma_start3A_321 : memref<200xi32, #tpu.memory_space<vmem>>) semaphore(%arg7 : memref<!tpu.dma_semaphore, #tpu.memory_space<semaphore_mem>>)
      %dma_start3A_325 = arith.constant 1 : i32
      %dma_start3A_326 = arith.constant 4 : i32
      %dma_start3A_327 = arith.constant 1 : i32
      %dma_start3A_328 = arith.constant 4 : i32
      %dma_start3A_329 = arith.constant 0 : i32
      %dma_start3A_330 = arith.constant 0 : i32
      %dma_start3A_331 = tpu.memref_slice %arg6[%dma_start3A_327, %dma_start3A_328, %dma_start3A_329, %dma_start3A_330] : memref<2x8x200x32xf32, #tpu.memory_space<vmem>> -> memref<1x1x200x32xf32, #tpu.memory_space<vmem>>
      %dma_start3A_332 = tpu.memref_squeeze %dma_start3A_331 : memref<1x1x200x32xf32, #tpu.memory_space<vmem>> -> memref<200x32xf32, #tpu.memory_space<vmem>>
      %dma_start3A_333 = arith.constant 0 : i32
      %dma_start3A_334 = tpu.memref_slice %arg5[%dma_start3A_325, %dma_start3A_326, %dma_start3A_333] : memref<2x8x200xi32, #tpu.memory_space<vmem>> -> memref<1x1x200xi32, #tpu.memory_space<vmem>>
      %dma_start3A_335 = tpu.memref_squeeze %dma_start3A_334 : memref<1x1x200xi32, #tpu.memory_space<vmem>> -> memref<200xi32, #tpu.memory_space<vmem>>
      %dma_start3A_336 = arith.constant 0 : i32
      %dma_start3A_337 = arith.constant 0 : i32
      %dma_start3A_338 = tpu.memref_slice %arg3[%dma_start3A_336, %dma_start3A_337] : memref<1000000x32xf32, #tpu.memory_space<hbm>> -> memref<1000000x32xf32, #tpu.memory_space<hbm>>
      tpu.enqueue_indirect_dma source(%dma_start3A_338 : memref<1000000x32xf32, #tpu.memory_space<hbm>>) target(%dma_start3A_332 : memref<200x32xf32, #tpu.memory_space<vmem>>) offsets(%dma_start3A_335 : memref<200xi32, #tpu.memory_space<vmem>>) semaphore(%arg7 : memref<!tpu.dma_semaphore, #tpu.memory_space<semaphore_mem>>)
      %dma_start3A_339 = arith.constant 1 : i32
      %dma_start3A_340 = arith.constant 5 : i32
      %dma_start3A_341 = arith.constant 1 : i32
      %dma_start3A_342 = arith.constant 5 : i32
      %dma_start3A_343 = arith.constant 0 : i32
      %dma_start3A_344 = arith.constant 0 : i32
      %dma_start3A_345 = tpu.memref_slice %arg6[%dma_start3A_341, %dma_start3A_342, %dma_start3A_343, %dma_start3A_344] : memref<2x8x200x32xf32, #tpu.memory_space<vmem>> -> memref<1x1x200x32xf32, #tpu.memory_space<vmem>>
      %dma_start3A_346 = tpu.memref_squeeze %dma_start3A_345 : memref<1x1x200x32xf32, #tpu.memory_space<vmem>> -> memref<200x32xf32, #tpu.memory_space<vmem>>
      %dma_start3A_347 = arith.constant 0 : i32
      %dma_start3A_348 = tpu.memref_slice %arg5[%dma_start3A_339, %dma_start3A_340, %dma_start3A_347] : memref<2x8x200xi32, #tpu.memory_space<vmem>> -> memref<1x1x200xi32, #tpu.memory_space<vmem>>
      %dma_start3A_349 = tpu.memref_squeeze %dma_start3A_348 : memref<1x1x200xi32, #tpu.memory_space<vmem>> -> memref<200xi32, #tpu.memory_space<vmem>>
      %dma_start3A_350 = arith.constant 0 : i32
      %dma_start3A_351 = arith.constant 0 : i32
      %dma_start3A_352 = tpu.memref_slice %arg3[%dma_start3A_350, %dma_start3A_351] : memref<1000000x32xf32, #tpu.memory_space<hbm>> -> memref<1000000x32xf32, #tpu.memory_space<hbm>>
      tpu.enqueue_indirect_dma source(%dma_start3A_352 : memref<1000000x32xf32, #tpu.memory_space<hbm>>) target(%dma_start3A_346 : memref<200x32xf32, #tpu.memory_space<vmem>>) offsets(%dma_start3A_349 : memref<200xi32, #tpu.memory_space<vmem>>) semaphore(%arg7 : memref<!tpu.dma_semaphore, #tpu.memory_space<semaphore_mem>>)
      %dma_start3A_353 = arith.constant 1 : i32
      %dma_start3A_354 = arith.constant 6 : i32
      %dma_start3A_355 = arith.constant 1 : i32
      %dma_start3A_356 = arith.constant 6 : i32
      %dma_start3A_357 = arith.constant 0 : i32
      %dma_start3A_358 = arith.constant 0 : i32
      %dma_start3A_359 = tpu.memref_slice %arg6[%dma_start3A_355, %dma_start3A_356, %dma_start3A_357, %dma_start3A_358] : memref<2x8x200x32xf32, #tpu.memory_space<vmem>> -> memref<1x1x200x32xf32, #tpu.memory_space<vmem>>
      %dma_start3A_360 = tpu.memref_squeeze %dma_start3A_359 : memref<1x1x200x32xf32, #tpu.memory_space<vmem>> -> memref<200x32xf32, #tpu.memory_space<vmem>>
      %dma_start3A_361 = arith.constant 0 : i32
      %dma_start3A_362 = tpu.memref_slice %arg5[%dma_start3A_353, %dma_start3A_354, %dma_start3A_361] : memref<2x8x200xi32, #tpu.memory_space<vmem>> -> memref<1x1x200xi32, #tpu.memory_space<vmem>>
      %dma_start3A_363 = tpu.memref_squeeze %dma_start3A_362 : memref<1x1x200xi32, #tpu.memory_space<vmem>> -> memref<200xi32, #tpu.memory_space<vmem>>
      %dma_start3A_364 = arith.constant 0 : i32
      %dma_start3A_365 = arith.constant 0 : i32
      %dma_start3A_366 = tpu.memref_slice %arg3[%dma_start3A_364, %dma_start3A_365] : memref<1000000x32xf32, #tpu.memory_space<hbm>> -> memref<1000000x32xf32, #tpu.memory_space<hbm>>
      tpu.enqueue_indirect_dma source(%dma_start3A_366 : memref<1000000x32xf32, #tpu.memory_space<hbm>>) target(%dma_start3A_360 : memref<200x32xf32, #tpu.memory_space<vmem>>) offsets(%dma_start3A_363 : memref<200xi32, #tpu.memory_space<vmem>>) semaphore(%arg7 : memref<!tpu.dma_semaphore, #tpu.memory_space<semaphore_mem>>)
      %dma_start3A_367 = arith.constant 1 : i32
      %dma_start3A_368 = arith.constant 7 : i32
      %dma_start3A_369 = arith.constant 1 : i32
      %dma_start3A_370 = arith.constant 7 : i32
      %dma_start3A_371 = arith.constant 0 : i32
      %dma_start3A_372 = arith.constant 0 : i32
      %dma_start3A_373 = tpu.memref_slice %arg6[%dma_start3A_369, %dma_start3A_370, %dma_start3A_371, %dma_start3A_372] : memref<2x8x200x32xf32, #tpu.memory_space<vmem>> -> memref<1x1x200x32xf32, #tpu.memory_space<vmem>>
      %dma_start3A_374 = tpu.memref_squeeze %dma_start3A_373 : memref<1x1x200x32xf32, #tpu.memory_space<vmem>> -> memref<200x32xf32, #tpu.memory_space<vmem>>
      %dma_start3A_375 = arith.constant 0 : i32
      %dma_start3A_376 = tpu.memref_slice %arg5[%dma_start3A_367, %dma_start3A_368, %dma_start3A_375] : memref<2x8x200xi32, #tpu.memory_space<vmem>> -> memref<1x1x200xi32, #tpu.memory_space<vmem>>
      %dma_start3A_377 = tpu.memref_squeeze %dma_start3A_376 : memref<1x1x200xi32, #tpu.memory_space<vmem>> -> memref<200xi32, #tpu.memory_space<vmem>>
      %dma_start3A_378 = arith.constant 0 : i32
      %dma_start3A_379 = arith.constant 0 : i32
      %dma_start3A_380 = tpu.memref_slice %arg3[%dma_start3A_378, %dma_start3A_379] : memref<1000000x32xf32, #tpu.memory_space<hbm>> -> memref<1000000x32xf32, #tpu.memory_space<hbm>>
      tpu.enqueue_indirect_dma source(%dma_start3A_380 : memref<1000000x32xf32, #tpu.memory_space<hbm>>) target(%dma_start3A_374 : memref<200x32xf32, #tpu.memory_space<vmem>>) offsets(%dma_start3A_377 : memref<200xi32, #tpu.memory_space<vmem>>) semaphore(%arg7 : memref<!tpu.dma_semaphore, #tpu.memory_space<semaphore_mem>>)
      %dma_wait3A_381 = arith.constant 1 : i32
      %dma_wait3A_382 = arith.constant 0 : i32
      %dma_wait3A_383 = arith.constant 1 : i32
      %dma_wait3A_384 = arith.constant 0 : i32
      %dma_wait3A_385 = arith.constant 0 : i32
      %dma_wait3A_386 = arith.constant 0 : i32
      %dma_wait3A_387 = tpu.memref_slice %arg6[%dma_wait3A_383, %dma_wait3A_384, %dma_wait3A_385, %dma_wait3A_386] : memref<2x8x200x32xf32, #tpu.memory_space<vmem>> -> memref<1x1x200x32xf32, #tpu.memory_space<vmem>>
      %dma_wait3A_388 = tpu.memref_squeeze %dma_wait3A_387 : memref<1x1x200x32xf32, #tpu.memory_space<vmem>> -> memref<200x32xf32, #tpu.memory_space<vmem>>
      %dma_wait3A_389 = arith.constant 0 : i32
      %dma_wait3A_390 = tpu.memref_slice %arg5[%dma_wait3A_381, %dma_wait3A_382, %dma_wait3A_389] : memref<2x8x200xi32, #tpu.memory_space<vmem>> -> memref<1x1x200xi32, #tpu.memory_space<vmem>>
      %dma_wait3A_391 = tpu.memref_squeeze %dma_wait3A_390 : memref<1x1x200xi32, #tpu.memory_space<vmem>> -> memref<200xi32, #tpu.memory_space<vmem>>
      %dma_wait3A_392 = arith.constant 0 : i32
      %dma_wait3A_393 = arith.constant 0 : i32
      %dma_wait3A_394 = tpu.memref_slice %arg3[%dma_wait3A_392, %dma_wait3A_393] : memref<1000000x32xf32, #tpu.memory_space<hbm>> -> memref<1000000x32xf32, #tpu.memory_space<hbm>>
      tpu.wait_indirect_dma semaphore(%arg7 : memref<!tpu.dma_semaphore, #tpu.memory_space<semaphore_mem>>) src(%dma_wait3A_394 : memref<1000000x32xf32, #tpu.memory_space<hbm>>) dst(%dma_wait3A_388 : memref<200x32xf32, #tpu.memory_space<vmem>>)
      %dma_wait3A_395 = arith.constant 1 : i32
      %dma_wait3A_396 = arith.constant 1 : i32
      %dma_wait3A_397 = arith.constant 1 : i32
      %dma_wait3A_398 = arith.constant 1 : i32
      %dma_wait3A_399 = arith.constant 0 : i32
      %dma_wait3A_400 = arith.constant 0 : i32
      %dma_wait3A_401 = tpu.memref_slice %arg6[%dma_wait3A_397, %dma_wait3A_398, %dma_wait3A_399, %dma_wait3A_400] : memref<2x8x200x32xf32, #tpu.memory_space<vmem>> -> memref<1x1x200x32xf32, #tpu.memory_space<vmem>>
      %dma_wait3A_402 = tpu.memref_squeeze %dma_wait3A_401 : memref<1x1x200x32xf32, #tpu.memory_space<vmem>> -> memref<200x32xf32, #tpu.memory_space<vmem>>
      %dma_wait3A_403 = arith.constant 0 : i32
      %dma_wait3A_404 = tpu.memref_slice %arg5[%dma_wait3A_395, %dma_wait3A_396, %dma_wait3A_403] : memref<2x8x200xi32, #tpu.memory_space<vmem>> -> memref<1x1x200xi32, #tpu.memory_space<vmem>>
      %dma_wait3A_405 = tpu.memref_squeeze %dma_wait3A_404 : memref<1x1x200xi32, #tpu.memory_space<vmem>> -> memref<200xi32, #tpu.memory_space<vmem>>
      %dma_wait3A_406 = arith.constant 0 : i32
      %dma_wait3A_407 = arith.constant 0 : i32
      %dma_wait3A_408 = tpu.memref_slice %arg3[%dma_wait3A_406, %dma_wait3A_407] : memref<1000000x32xf32, #tpu.memory_space<hbm>> -> memref<1000000x32xf32, #tpu.memory_space<hbm>>
      tpu.wait_indirect_dma semaphore(%arg7 : memref<!tpu.dma_semaphore, #tpu.memory_space<semaphore_mem>>) src(%dma_wait3A_408 : memref<1000000x32xf32, #tpu.memory_space<hbm>>) dst(%dma_wait3A_402 : memref<200x32xf32, #tpu.memory_space<vmem>>)
      %dma_wait3A_409 = arith.constant 1 : i32
      %dma_wait3A_410 = arith.constant 2 : i32
      %dma_wait3A_411 = arith.constant 1 : i32
      %dma_wait3A_412 = arith.constant 2 : i32
      %dma_wait3A_413 = arith.constant 0 : i32
      %dma_wait3A_414 = arith.constant 0 : i32
      %dma_wait3A_415 = tpu.memref_slice %arg6[%dma_wait3A_411, %dma_wait3A_412, %dma_wait3A_413, %dma_wait3A_414] : memref<2x8x200x32xf32, #tpu.memory_space<vmem>> -> memref<1x1x200x32xf32, #tpu.memory_space<vmem>>
      %dma_wait3A_416 = tpu.memref_squeeze %dma_wait3A_415 : memref<1x1x200x32xf32, #tpu.memory_space<vmem>> -> memref<200x32xf32, #tpu.memory_space<vmem>>
      %dma_wait3A_417 = arith.constant 0 : i32
      %dma_wait3A_418 = tpu.memref_slice %arg5[%dma_wait3A_409, %dma_wait3A_410, %dma_wait3A_417] : memref<2x8x200xi32, #tpu.memory_space<vmem>> -> memref<1x1x200xi32, #tpu.memory_space<vmem>>
      %dma_wait3A_419 = tpu.memref_squeeze %dma_wait3A_418 : memref<1x1x200xi32, #tpu.memory_space<vmem>> -> memref<200xi32, #tpu.memory_space<vmem>>
      %dma_wait3A_420 = arith.constant 0 : i32
      %dma_wait3A_421 = arith.constant 0 : i32
      %dma_wait3A_422 = tpu.memref_slice %arg3[%dma_wait3A_420, %dma_wait3A_421] : memref<1000000x32xf32, #tpu.memory_space<hbm>> -> memref<1000000x32xf32, #tpu.memory_space<hbm>>
      tpu.wait_indirect_dma semaphore(%arg7 : memref<!tpu.dma_semaphore, #tpu.memory_space<semaphore_mem>>) src(%dma_wait3A_422 : memref<1000000x32xf32, #tpu.memory_space<hbm>>) dst(%dma_wait3A_416 : memref<200x32xf32, #tpu.memory_space<vmem>>)
      %dma_wait3A_423 = arith.constant 1 : i32
      %dma_wait3A_424 = arith.constant 3 : i32
      %dma_wait3A_425 = arith.constant 1 : i32
      %dma_wait3A_426 = arith.constant 3 : i32
      %dma_wait3A_427 = arith.constant 0 : i32
      %dma_wait3A_428 = arith.constant 0 : i32
      %dma_wait3A_429 = tpu.memref_slice %arg6[%dma_wait3A_425, %dma_wait3A_426, %dma_wait3A_427, %dma_wait3A_428] : memref<2x8x200x32xf32, #tpu.memory_space<vmem>> -> memref<1x1x200x32xf32, #tpu.memory_space<vmem>>
      %dma_wait3A_430 = tpu.memref_squeeze %dma_wait3A_429 : memref<1x1x200x32xf32, #tpu.memory_space<vmem>> -> memref<200x32xf32, #tpu.memory_space<vmem>>
      %dma_wait3A_431 = arith.constant 0 : i32
      %dma_wait3A_432 = tpu.memref_slice %arg5[%dma_wait3A_423, %dma_wait3A_424, %dma_wait3A_431] : memref<2x8x200xi32, #tpu.memory_space<vmem>> -> memref<1x1x200xi32, #tpu.memory_space<vmem>>
      %dma_wait3A_433 = tpu.memref_squeeze %dma_wait3A_432 : memref<1x1x200xi32, #tpu.memory_space<vmem>> -> memref<200xi32, #tpu.memory_space<vmem>>
      %dma_wait3A_434 = arith.constant 0 : i32
      %dma_wait3A_435 = arith.constant 0 : i32
      %dma_wait3A_436 = tpu.memref_slice %arg3[%dma_wait3A_434, %dma_wait3A_435] : memref<1000000x32xf32, #tpu.memory_space<hbm>> -> memref<1000000x32xf32, #tpu.memory_space<hbm>>
      tpu.wait_indirect_dma semaphore(%arg7 : memref<!tpu.dma_semaphore, #tpu.memory_space<semaphore_mem>>) src(%dma_wait3A_436 : memref<1000000x32xf32, #tpu.memory_space<hbm>>) dst(%dma_wait3A_430 : memref<200x32xf32, #tpu.memory_space<vmem>>)
      %dma_wait3A_437 = arith.constant 1 : i32
      %dma_wait3A_438 = arith.constant 4 : i32
      %dma_wait3A_439 = arith.constant 1 : i32
      %dma_wait3A_440 = arith.constant 4 : i32
      %dma_wait3A_441 = arith.constant 0 : i32
      %dma_wait3A_442 = arith.constant 0 : i32
      %dma_wait3A_443 = tpu.memref_slice %arg6[%dma_wait3A_439, %dma_wait3A_440, %dma_wait3A_441, %dma_wait3A_442] : memref<2x8x200x32xf32, #tpu.memory_space<vmem>> -> memref<1x1x200x32xf32, #tpu.memory_space<vmem>>
      %dma_wait3A_444 = tpu.memref_squeeze %dma_wait3A_443 : memref<1x1x200x32xf32, #tpu.memory_space<vmem>> -> memref<200x32xf32, #tpu.memory_space<vmem>>
      %dma_wait3A_445 = arith.constant 0 : i32
      %dma_wait3A_446 = tpu.memref_slice %arg5[%dma_wait3A_437, %dma_wait3A_438, %dma_wait3A_445] : memref<2x8x200xi32, #tpu.memory_space<vmem>> -> memref<1x1x200xi32, #tpu.memory_space<vmem>>
      %dma_wait3A_447 = tpu.memref_squeeze %dma_wait3A_446 : memref<1x1x200xi32, #tpu.memory_space<vmem>> -> memref<200xi32, #tpu.memory_space<vmem>>
      %dma_wait3A_448 = arith.constant 0 : i32
      %dma_wait3A_449 = arith.constant 0 : i32
      %dma_wait3A_450 = tpu.memref_slice %arg3[%dma_wait3A_448, %dma_wait3A_449] : memref<1000000x32xf32, #tpu.memory_space<hbm>> -> memref<1000000x32xf32, #tpu.memory_space<hbm>>
      tpu.wait_indirect_dma semaphore(%arg7 : memref<!tpu.dma_semaphore, #tpu.memory_space<semaphore_mem>>) src(%dma_wait3A_450 : memref<1000000x32xf32, #tpu.memory_space<hbm>>) dst(%dma_wait3A_444 : memref<200x32xf32, #tpu.memory_space<vmem>>)
      %dma_wait3A_451 = arith.constant 1 : i32
      %dma_wait3A_452 = arith.constant 5 : i32
      %dma_wait3A_453 = arith.constant 1 : i32
      %dma_wait3A_454 = arith.constant 5 : i32
      %dma_wait3A_455 = arith.constant 0 : i32
      %dma_wait3A_456 = arith.constant 0 : i32
      %dma_wait3A_457 = tpu.memref_slice %arg6[%dma_wait3A_453, %dma_wait3A_454, %dma_wait3A_455, %dma_wait3A_456] : memref<2x8x200x32xf32, #tpu.memory_space<vmem>> -> memref<1x1x200x32xf32, #tpu.memory_space<vmem>>
      %dma_wait3A_458 = tpu.memref_squeeze %dma_wait3A_457 : memref<1x1x200x32xf32, #tpu.memory_space<vmem>> -> memref<200x32xf32, #tpu.memory_space<vmem>>
      %dma_wait3A_459 = arith.constant 0 : i32
      %dma_wait3A_460 = tpu.memref_slice %arg5[%dma_wait3A_451, %dma_wait3A_452, %dma_wait3A_459] : memref<2x8x200xi32, #tpu.memory_space<vmem>> -> memref<1x1x200xi32, #tpu.memory_space<vmem>>
      %dma_wait3A_461 = tpu.memref_squeeze %dma_wait3A_460 : memref<1x1x200xi32, #tpu.memory_space<vmem>> -> memref<200xi32, #tpu.memory_space<vmem>>
      %dma_wait3A_462 = arith.constant 0 : i32
      %dma_wait3A_463 = arith.constant 0 : i32
      %dma_wait3A_464 = tpu.memref_slice %arg3[%dma_wait3A_462, %dma_wait3A_463] : memref<1000000x32xf32, #tpu.memory_space<hbm>> -> memref<1000000x32xf32, #tpu.memory_space<hbm>>
      tpu.wait_indirect_dma semaphore(%arg7 : memref<!tpu.dma_semaphore, #tpu.memory_space<semaphore_mem>>) src(%dma_wait3A_464 : memref<1000000x32xf32, #tpu.memory_space<hbm>>) dst(%dma_wait3A_458 : memref<200x32xf32, #tpu.memory_space<vmem>>)
      %dma_wait3A_465 = arith.constant 1 : i32
      %dma_wait3A_466 = arith.constant 6 : i32
      %dma_wait3A_467 = arith.constant 1 : i32
      %dma_wait3A_468 = arith.constant 6 : i32
      %dma_wait3A_469 = arith.constant 0 : i32
      %dma_wait3A_470 = arith.constant 0 : i32
      %dma_wait3A_471 = tpu.memref_slice %arg6[%dma_wait3A_467, %dma_wait3A_468, %dma_wait3A_469, %dma_wait3A_470] : memref<2x8x200x32xf32, #tpu.memory_space<vmem>> -> memref<1x1x200x32xf32, #tpu.memory_space<vmem>>
      %dma_wait3A_472 = tpu.memref_squeeze %dma_wait3A_471 : memref<1x1x200x32xf32, #tpu.memory_space<vmem>> -> memref<200x32xf32, #tpu.memory_space<vmem>>
      %dma_wait3A_473 = arith.constant 0 : i32
      %dma_wait3A_474 = tpu.memref_slice %arg5[%dma_wait3A_465, %dma_wait3A_466, %dma_wait3A_473] : memref<2x8x200xi32, #tpu.memory_space<vmem>> -> memref<1x1x200xi32, #tpu.memory_space<vmem>>
      %dma_wait3A_475 = tpu.memref_squeeze %dma_wait3A_474 : memref<1x1x200xi32, #tpu.memory_space<vmem>> -> memref<200xi32, #tpu.memory_space<vmem>>
      %dma_wait3A_476 = arith.constant 0 : i32
      %dma_wait3A_477 = arith.constant 0 : i32
      %dma_wait3A_478 = tpu.memref_slice %arg3[%dma_wait3A_476, %dma_wait3A_477] : memref<1000000x32xf32, #tpu.memory_space<hbm>> -> memref<1000000x32xf32, #tpu.memory_space<hbm>>
      tpu.wait_indirect_dma semaphore(%arg7 : memref<!tpu.dma_semaphore, #tpu.memory_space<semaphore_mem>>) src(%dma_wait3A_478 : memref<1000000x32xf32, #tpu.memory_space<hbm>>) dst(%dma_wait3A_472 : memref<200x32xf32, #tpu.memory_space<vmem>>)
      %dma_wait3A_479 = arith.constant 1 : i32
      %dma_wait3A_480 = arith.constant 7 : i32
      %dma_wait3A_481 = arith.constant 1 : i32
      %dma_wait3A_482 = arith.constant 7 : i32
      %dma_wait3A_483 = arith.constant 0 : i32
      %dma_wait3A_484 = arith.constant 0 : i32
      %dma_wait3A_485 = tpu.memref_slice %arg6[%dma_wait3A_481, %dma_wait3A_482, %dma_wait3A_483, %dma_wait3A_484] : memref<2x8x200x32xf32, #tpu.memory_space<vmem>> -> memref<1x1x200x32xf32, #tpu.memory_space<vmem>>
      %dma_wait3A_486 = tpu.memref_squeeze %dma_wait3A_485 : memref<1x1x200x32xf32, #tpu.memory_space<vmem>> -> memref<200x32xf32, #tpu.memory_space<vmem>>
      %dma_wait3A_487 = arith.constant 0 : i32
      %dma_wait3A_488 = tpu.memref_slice %arg5[%dma_wait3A_479, %dma_wait3A_480, %dma_wait3A_487] : memref<2x8x200xi32, #tpu.memory_space<vmem>> -> memref<1x1x200xi32, #tpu.memory_space<vmem>>
      %dma_wait3A_489 = tpu.memref_squeeze %dma_wait3A_488 : memref<1x1x200xi32, #tpu.memory_space<vmem>> -> memref<200xi32, #tpu.memory_space<vmem>>
      %dma_wait3A_490 = arith.constant 0 : i32
      %dma_wait3A_491 = arith.constant 0 : i32
      %dma_wait3A_492 = tpu.memref_slice %arg3[%dma_wait3A_490, %dma_wait3A_491] : memref<1000000x32xf32, #tpu.memory_space<hbm>> -> memref<1000000x32xf32, #tpu.memory_space<hbm>>
      tpu.wait_indirect_dma semaphore(%arg7 : memref<!tpu.dma_semaphore, #tpu.memory_space<semaphore_mem>>) src(%dma_wait3A_492 : memref<1000000x32xf32, #tpu.memory_space<hbm>>) dst(%dma_wait3A_486 : memref<200x32xf32, #tpu.memory_space<vmem>>)
      %scan3A_493 = arith.constant 0 : i32
      %scan3A_494 = arith.constant 0 : i32
      %scan3A_495 = arith.constant 50 : i32
      %scan3A_496 = arith.addi %scan3A_494, %scan3A_495 : i32
      %scan3A_497 = arith.constant 1 : i32
      scf.for %scan3A_499 = %scan3A_494 to %scan3A_496 step %scan3A_497  : i32 {
        %mul3A_500 = arith.constant 4 : i32
        %mul3A_501 = arith.muli %mul3A_500, %scan3A_499 : i32
        %dma_start3A_502 = arith.constant 1 : i32
        %dma_start3A_503 = arith.constant 0 : i32
        %dma_start3A_504 = arith.constant 0 : i32
        %dma_start3A_505 = tpu.memref_slice %arg6[%dma_start3A_502, %dma_start3A_503, %mul3A_501, %dma_start3A_504] : memref<2x8x200x32xf32, #tpu.memory_space<vmem>> -> memref<1x8x4x32xf32, #tpu.memory_space<vmem>>
        %dma_start3A_506 = tpu.memref_squeeze %dma_start3A_505 : memref<1x8x4x32xf32, #tpu.memory_space<vmem>> -> memref<8x4x32xf32, #tpu.memory_space<vmem>>
        %dma_start3A_507 = arith.constant 0 : i32
        %dma_start3A_508 = arith.constant 0 : i32
        %dma_start3A_509 = tpu.memref_slice %arg4[%scan3A_499, %add3A_262, %dma_start3A_507, %dma_start3A_508] : memref<50x16384x4x32xf32, #tpu.memory_space<hbm>> -> memref<1x8x4x32xf32, #tpu.memory_space<hbm>>
        %dma_start3A_510 = tpu.memref_squeeze %dma_start3A_509 : memref<1x8x4x32xf32, #tpu.memory_space<hbm>> -> memref<8x4x32xf32, #tpu.memory_space<hbm>>
        %dma_start3A_511 = arith.constant 0 : i32
        %dma_start3A_512 = arith.constant 0 : i32
        %dma_start3A_513 = tpu.memref_slice %arg4[%scan3A_499, %add3A_262, %dma_start3A_511, %dma_start3A_512] : memref<50x16384x4x32xf32, #tpu.memory_space<hbm>> -> memref<1x8x4x32xf32, #tpu.memory_space<hbm>>
        %dma_start3A_514 = tpu.memref_squeeze %dma_start3A_513 : memref<1x8x4x32xf32, #tpu.memory_space<hbm>> -> memref<8x4x32xf32, #tpu.memory_space<hbm>>
        %dma_start3A_515 = arith.constant 0 : i32
        %dma_start3A_516 = arith.constant 0 : i32
        %dma_start3A_517 = tpu.memref_slice %arg6[%dma_start3A_502, %dma_start3A_515, %mul3A_501, %dma_start3A_516] : memref<2x8x200x32xf32, #tpu.memory_space<vmem>> -> memref<1x8x4x32xf32, #tpu.memory_space<vmem>>
        %dma_start3A_518 = tpu.memref_squeeze %dma_start3A_517 : memref<1x8x4x32xf32, #tpu.memory_space<vmem>> -> memref<8x4x32xf32, #tpu.memory_space<vmem>>
        tpu.enqueue_dma source(%dma_start3A_518 : memref<8x4x32xf32, #tpu.memory_space<vmem>>) target(%dma_start3A_514 : memref<8x4x32xf32, #tpu.memory_space<hbm>>) target_semaphore(%arg9 : memref<!tpu.dma_semaphore, #tpu.memory_space<semaphore_mem>>)
      }
      %scan3A_498 = arith.constant 50 : i32
    }
    %scan3A_7 = arith.constant 32 : i32
    %scan3A_8 = arith.constant 0 : i32
    %scan3A_9 = arith.constant 0 : i32
    %scan3A_10 = arith.constant 50 : i32
    %scan3A_11 = arith.addi %scan3A_9, %scan3A_10 : i32
    %scan3A_12 = arith.constant 1 : i32
    scf.for %scan3A_20 = %scan3A_9 to %scan3A_11 step %scan3A_12  : i32 {
      %mul3A_21 = arith.constant 4 : i32
      %mul3A_22 = arith.muli %mul3A_21, %scan3A_20 : i32
      %dma_wait3A = arith.constant 0 : i32
      %dma_wait3A_23 = arith.constant 0 : i32
      %dma_wait3A_24 = arith.constant 0 : i32
      %dma_wait3A_25 = arith.constant 0 : i32
      %dma_wait3A_26 = tpu.memref_slice %arg6[%dma_wait3A, %dma_wait3A_24, %mul3A_22, %dma_wait3A_25] : memref<2x8x200x32xf32, #tpu.memory_space<vmem>> -> memref<1x8x4x32xf32, #tpu.memory_space<vmem>>
      %dma_wait3A_27 = tpu.memref_squeeze %dma_wait3A_26 : memref<1x8x4x32xf32, #tpu.memory_space<vmem>> -> memref<8x4x32xf32, #tpu.memory_space<vmem>>
      %dma_wait3A_28 = arith.constant 0 : i32
      %dma_wait3A_29 = arith.constant 0 : i32
      %dma_wait3A_30 = tpu.memref_slice %arg4[%dma_wait3A_23, %mul3A_2, %dma_wait3A_28, %dma_wait3A_29] : memref<50x16384x4x32xf32, #tpu.memory_space<hbm>> -> memref<1x8x4x32xf32, #tpu.memory_space<hbm>>
      %dma_wait3A_31 = tpu.memref_squeeze %dma_wait3A_30 : memref<1x8x4x32xf32, #tpu.memory_space<hbm>> -> memref<8x4x32xf32, #tpu.memory_space<hbm>>
      %dma_wait3A_32 = arith.constant 0 : i32
      %dma_wait3A_33 = arith.constant 0 : i32
      %dma_wait3A_34 = tpu.memref_slice %arg4[%dma_wait3A_23, %mul3A_2, %dma_wait3A_32, %dma_wait3A_33] : memref<50x16384x4x32xf32, #tpu.memory_space<hbm>> -> memref<1x8x4x32xf32, #tpu.memory_space<hbm>>
      %dma_wait3A_35 = tpu.memref_squeeze %dma_wait3A_34 : memref<1x8x4x32xf32, #tpu.memory_space<hbm>> -> memref<8x4x32xf32, #tpu.memory_space<hbm>>
      %dma_wait3A_36 = arith.constant 0 : i32
      %dma_wait3A_37 = arith.constant 0 : i32
      %dma_wait3A_38 = tpu.memref_slice %arg6[%dma_wait3A, %dma_wait3A_36, %mul3A_22, %dma_wait3A_37] : memref<2x8x200x32xf32, #tpu.memory_space<vmem>> -> memref<1x8x4x32xf32, #tpu.memory_space<vmem>>
      %dma_wait3A_39 = tpu.memref_squeeze %dma_wait3A_38 : memref<1x8x4x32xf32, #tpu.memory_space<vmem>> -> memref<8x4x32xf32, #tpu.memory_space<vmem>>
      tpu.wait_dma2 semaphore(%arg8 : memref<!tpu.dma_semaphore, #tpu.memory_space<semaphore_mem>>) src(%dma_wait3A_39 : memref<8x4x32xf32, #tpu.memory_space<vmem>>) dst(%dma_wait3A_35 : memref<8x4x32xf32, #tpu.memory_space<hbm>>)
    }
    %scan3A_13 = arith.constant 50 : i32
    %scan3A_14 = arith.constant 0 : i32
    %scan3A_15 = arith.constant 0 : i32
    %scan3A_16 = arith.constant 50 : i32
    %scan3A_17 = arith.addi %scan3A_15, %scan3A_16 : i32
    %scan3A_18 = arith.constant 1 : i32
    scf.for %scan3A_20 = %scan3A_15 to %scan3A_17 step %scan3A_18  : i32 {
      %mul3A_21 = arith.constant 4 : i32
      %mul3A_22 = arith.muli %mul3A_21, %scan3A_20 : i32
      %dma_wait3A = arith.constant 1 : i32
      %dma_wait3A_23 = arith.constant 0 : i32
      %dma_wait3A_24 = arith.constant 0 : i32
      %dma_wait3A_25 = arith.constant 0 : i32
      %dma_wait3A_26 = tpu.memref_slice %arg6[%dma_wait3A, %dma_wait3A_24, %mul3A_22, %dma_wait3A_25] : memref<2x8x200x32xf32, #tpu.memory_space<vmem>> -> memref<1x8x4x32xf32, #tpu.memory_space<vmem>>
      %dma_wait3A_27 = tpu.memref_squeeze %dma_wait3A_26 : memref<1x8x4x32xf32, #tpu.memory_space<vmem>> -> memref<8x4x32xf32, #tpu.memory_space<vmem>>
      %dma_wait3A_28 = arith.constant 0 : i32
      %dma_wait3A_29 = arith.constant 0 : i32
      %dma_wait3A_30 = tpu.memref_slice %arg4[%dma_wait3A_23, %mul3A_2, %dma_wait3A_28, %dma_wait3A_29] : memref<50x16384x4x32xf32, #tpu.memory_space<hbm>> -> memref<1x8x4x32xf32, #tpu.memory_space<hbm>>
      %dma_wait3A_31 = tpu.memref_squeeze %dma_wait3A_30 : memref<1x8x4x32xf32, #tpu.memory_space<hbm>> -> memref<8x4x32xf32, #tpu.memory_space<hbm>>
      %dma_wait3A_32 = arith.constant 0 : i32
      %dma_wait3A_33 = arith.constant 0 : i32
      %dma_wait3A_34 = tpu.memref_slice %arg4[%dma_wait3A_23, %mul3A_2, %dma_wait3A_32, %dma_wait3A_33] : memref<50x16384x4x32xf32, #tpu.memory_space<hbm>> -> memref<1x8x4x32xf32, #tpu.memory_space<hbm>>
      %dma_wait3A_35 = tpu.memref_squeeze %dma_wait3A_34 : memref<1x8x4x32xf32, #tpu.memory_space<hbm>> -> memref<8x4x32xf32, #tpu.memory_space<hbm>>
      %dma_wait3A_36 = arith.constant 0 : i32
      %dma_wait3A_37 = arith.constant 0 : i32
      %dma_wait3A_38 = tpu.memref_slice %arg6[%dma_wait3A, %dma_wait3A_36, %mul3A_22, %dma_wait3A_37] : memref<2x8x200x32xf32, #tpu.memory_space<vmem>> -> memref<1x8x4x32xf32, #tpu.memory_space<vmem>>
      %dma_wait3A_39 = tpu.memref_squeeze %dma_wait3A_38 : memref<1x8x4x32xf32, #tpu.memory_space<vmem>> -> memref<8x4x32xf32, #tpu.memory_space<vmem>>
      tpu.wait_dma2 semaphore(%arg9 : memref<!tpu.dma_semaphore, #tpu.memory_space<semaphore_mem>>) src(%dma_wait3A_39 : memref<8x4x32xf32, #tpu.memory_space<vmem>>) dst(%dma_wait3A_35 : memref<8x4x32xf32, #tpu.memory_space<hbm>>)
    }
    %scan3A_19 = arith.constant 50 : i32
    return
  }
}

module attributes {stable_mosaic.version = 14 : i64} {
  func.func @_mask_body(%arg0: i32, %arg1: memref<1024x200xi32, #tpu.memory_space<vmem>>, %arg2: memref<1024x200xi32, #tpu.memory_space<vmem>>) attributes {dimension_semantics = [#tpu.dimension_semantics<arbitrary>], iteration_bounds = array<i64: 16>, scalar_prefetch = 0 : i64, scratch_operands = 0 : i64, tpu.core_type = #tpu.core_type<tc>, window_params = [{transform_indices = @transform_0, window_bounds = array<i64: 1024, 200>}, {transform_indices = @transform_1, window_bounds = array<i64: 1024, 200>}]} {
    %get3A = arith.constant 0 : index
    %get3A_0 = arith.constant 0 : index
    %get3A_1 = vector.load %arg1[%get3A, %get3A_0] : memref<1024x200xi32, #tpu.memory_space<vmem>>, vector<1024x200xi32>
    %ne3A = arith.constant 0 : i32
    %ne3A_2 = vector.broadcast %ne3A : i32 to vector<1024x200xi32>
    %ne3A_3 = arith.cmpi ne, %get3A_1, %ne3A_2 : vector<1024x200xi32>
    %swap3A = arith.constant 0 : index
    %swap3A_4 = arith.constant 0 : index
    %swap3A_5 = vector.load %arg2[%swap3A, %swap3A_4] : memref<1024x200xi32, #tpu.memory_space<vmem>>, vector<1024x200xi32>
    %swap3A_6 = arith.extui %ne3A_3 : vector<1024x200xi1> to vector<1024x200xi32>
    %swap3A_7 = arith.constant dense<0> : vector<1024x200xi32>
    %swap3A_8 = arith.cmpi ne, %swap3A_5, %swap3A_7 : vector<1024x200xi32>
    tpu.vector_store %arg2[%swap3A, %swap3A_4], %swap3A_6 {strides = array<i32>} : memref<1024x200xi32, #tpu.memory_space<vmem>>, vector<1024x200xi32>,
    return
  }
  func.func @transform_0(%arg0: i32) -> (i32, i32) {
    %c0_i32 = arith.constant 0 : i32
    %c0_i32_0 = arith.constant 0 : i32
    return %arg0, %c0_i32 : i32, i32
  }
  func.func @transform_1(%arg0: i32) -> (i32, i32) {
    %c0_i32 = arith.constant 0 : i32
    %c0_i32_0 = arith.constant 0 : i32
    return %arg0, %c0_i32 : i32, i32
  }
}

module attributes {stable_mosaic.version = 14 : i64} {
  func.func @_retile_body(%arg0: i32, %arg1: i32, %arg2: memref<8192x128xf32, #tpu.memory_space<vmem>>, %arg3: memref<1x16x64x8x128xf32, #tpu.memory_space<vmem>>) attributes {dimension_semantics = [#tpu.dimension_semantics<arbitrary>, #tpu.dimension_semantics<arbitrary>], iteration_bounds = array<i64: 50, 2>, scalar_prefetch = 0 : i64, scratch_operands = 0 : i64, tpu.core_type = #tpu.core_type<tc>, window_params = [{transform_indices = @transform_0, window_bounds = array<i64: 8192, 128>}, {transform_indices = @transform_1, window_bounds = array<i64: 1, 16, 64, 8, 128>}]} {
    %get3A = arith.constant 0 : index
    %get3A_0 = arith.constant 0 : index
    %get3A_1 = vector.load %arg2[%get3A, %get3A_0] : memref<8192x128xf32, #tpu.memory_space<vmem>>, vector<8192x128xf32>
    %reshape3A = vector.shape_cast %get3A_1 : vector<8192x128xf32> to vector<64x128x128xf32>
    %transpose3A = tpu.transpose %reshape3A, [0, 2, 1] : vector<64x128x128xf32> -> vector<64x128x128xf32>
    %reshape3A_2 = vector.shape_cast %transpose3A : vector<64x128x128xf32> to vector<64x16x8x128xf32>
    %transpose3A_3 = tpu.transpose %reshape3A_2, [1, 0, 2, 3] : vector<64x16x8x128xf32> -> vector<16x64x8x128xf32>
    %swap3A = arith.constant 0 : index
    %swap3A_4 = arith.constant 0 : index
    %swap3A_5 = arith.constant 0 : index
    %swap3A_6 = arith.constant 0 : index
    %swap3A_7 = arith.constant 0 : index
    %swap3A_8 = vector.load %arg3[%swap3A, %swap3A_4, %swap3A_5, %swap3A_6, %swap3A_7] : memref<1x16x64x8x128xf32, #tpu.memory_space<vmem>>, vector<1x16x64x8x128xf32>
    %swap3A_9 = vector.shape_cast %swap3A_8 : vector<1x16x64x8x128xf32> to vector<16x64x8x128xf32>
    %swap3A_10 = vector.shape_cast %transpose3A_3 : vector<16x64x8x128xf32> to vector<1x16x64x8x128xf32>
    tpu.vector_store %arg3[%swap3A, %swap3A_4, %swap3A_5, %swap3A_6, %swap3A_7], %swap3A_10 {strides = array<i32>} : memref<1x16x64x8x128xf32, #tpu.memory_space<vmem>>, vector<1x16x64x8x128xf32>,
    return
  }
  func.func @transform_0(%arg0: i32, %arg1: i32) -> (i32, i32) {
    %mul3A = arith.constant 2 : i32
    %mul3A_0 = arith.muli %arg0, %mul3A : i32
    %add3A = arith.addi %mul3A_0, %arg1 : i32
    %c0_i32 = arith.constant 0 : i32
    %c0_i32_1 = arith.constant 0 : i32
    return %add3A, %c0_i32 : i32, i32
  }
  func.func @transform_1(%arg0: i32, %arg1: i32) -> (i32, i32, i32, i32, i32) {
    %c0_i32 = arith.constant 0 : i32
    %c0_i32_0 = arith.constant 0 : i32
    %c0_i32_1 = arith.constant 0 : i32
    %c0_i32_2 = arith.constant 0 : i32
    return %arg0, %c0_i32, %arg1, %c0_i32_0, %c0_i32_1 : i32, i32, i32, i32, i32
  }
}

</mosaic_0001>

<sc_bundles>
// kernel: kernel.5.cloned.1.call-start
scs
__scs_entry_jumppad:
0x0: {  	(pc) =	sbr.rel $0x88, $3  }
0x1: {  	(tag) =	ssettag $0x0;
	lr =	simm.s32 $0x1  }
0x2: {  	[smem:$0x3F9F] =	sst lr;
	_ =	strace $0xD0000000  }
0x3: {  	_ = 	snop  }
0x4: {  	_ = 	snop  }
0x5: {  	_ = 	snop  }
0x6: {  	_ = 	snop  }
0x7: {  	_ = 	snop  }
__scs_overlays_trampoline_lowered:
0x8: {  	[smem:$0x3FAE] =	sst s0  }
0x9: {  	[smem:$0x3FAF] =	sst s1  }
0xa: {  	[smem:$0x3FB0] =	sst s2  }
0xb: {  	[smem:$0x3FB1] =	sst s3  }
0xc: {  	[smem:$0x3FB2] =	sst s4  }
0xd: {  	[smem:$0x3FB3] =	sst s5  }
0xe: {  	[smem:$0x3FB4] =	sst s6  }
0xf: {  	[smem:$0x3FB5] =	sst s7  }
0x10: {  	[smem:$0x3FB6] =	sst s8  }
0x11: {  	[smem:$0x3FB7] =	sst s9;
	s0 =	simm.s32 @!p0 $0x0  }
0x12: {  	s1 =	sld [smem:$0x3F9D];
	s0 =	simm.s32 @p0 $0x1  }
0x13: {  	[smem:$0x3FB8] =	sst s0;
	s0 =	simm.s32 @!p1 $0x0  }
0x14: {  	s2 =	sld [smem:$0x3F9C];
	s0 =	simm.s32 @p1 $0x1  }
0x15: {  	[smem:$0x3FB9] =	sst s0;
	s0 =	simm.s32 @!p2 $0x0  }
0x16: {  	s3 =	sld [smem:$0x3FDB];
	s0 =	simm.s32 @p2 $0x1  }
0x17: {  	s4 =	simm.s32 $0x1BF5;
	[smem:$0x3FBB] =	sst s0  }
0x18: {  	s0 =	sld [smem:$0x3F9E];
	_ =	swait.ge [sflag:s4], $0x0  }
0x19: {  	s7 =	sld [smem:$0x3F9F]  }
0x1a: {  	s8 =	sadd.s32 $0xFFFFE003, lr  }
0x1b: {  	s9 =	sadd.s32 $0xFFFFFEF7, lr;
	s5 =	simm.s32 $0xFFFFFFFF;
	p2 =	slt.u32 s8, $0xFFFFF086  }
0x1c: {  	p1 =	slt.u32 s9, $0xF7A;
	s5 =	simm.s32 @!p2 $0x0  }
0x1d: {  	s5 =	simm.s32 @p1 $0x1;
	p0 =	seq.s32 s7, s2  }
0x1e: {  	s7 =	smul.u32 @!p0 $0xF7A, s2;
	p2 =	seq.s32 @!p0 s5, $0x0  }
0x1f: {  	s9 =	smul.u32 $0xF7A, s1;
	s8 =	simm.s32 @!p0 $0x1BF5;
	p2 =	por !p2, p0  }
0x20: {  	[sflag:s8] =	ssyncset.s32 @!p0 $0xFFFFF086;
	s6 =	sadd.s32 @!p0 s3, s7;
	s7 =	simm.s32 @!p0 $0x108  }
0x21: {  	s3 =	sadd.s32 s3, s9;
	s6 =	sadd.s32 @!p0 $0x88, s6;
	s7 =	simm.s32 @p2 $0x1082  }
0x22: {  	[simem:s7], [sflag:s8] =	dma.local @!p0 [hbm:s6], $0xF7A  }
0x23: {  	s9 =	sor.u32 $0xD0000000, s2;
	s6 =	simm.s32 $0x108;
	_ =	swait.ge @!p0 [sflag:s8], $0x0  }
0x24: {  	s3 =	sadd.s32 $0x88, s3;
	s6 =	simm.s32 @!p1 $0x1082;
	[sflag:s4] =	ssyncset.s32 $0xFFFFF086  }
0x25: {  	[simem:s6], [sflag:s4] =	dma.local [hbm:s3], $0xF7A  }
0x26: {  	[smem:$0x3F9F] =	sst s1;
	(tag) =	ssettag s2;
	_ =	strace s9  }
0x27: {  	s1 =	sld [smem:$0x3FAF]  }
0x28: {  	s2 =	sld [smem:$0x3FB0]  }
0x29: {  	s4 =	sld [smem:$0x3FB2]  }
0x2a: {  	p0 =	seq.s32 s5, $0x0;
	s5 =	sld [smem:$0x3FB3]  }
0x2b: {  	s6 =	sld [smem:$0x3FB4]  }
0x2c: {  	s7 =	sld [smem:$0x3FB5]  }
0x2d: {  	s3 =	simm.s32 $0x108;
	s8 =	sld [smem:$0x3FB6]  }
0x2e: {  	s3 =	simm.s32 @!p0 $0x1082;
	s9 =	sld [smem:$0x3FB7]  }
0x2f: {  	lr =	sadd.s32 s0, s3;
	s0 =	sld [smem:$0x3FAE]  }
0x30: {  	s3 =	sld [smem:$0x3FB1]  }
0x31: {  	[smem:$0x3FBA] =	sst s10  }
0x32: {  	s10 =	sld [smem:$0x3FB8];
	_ =	sdelay $0x3  }
0x33: {  	p0 =	seq.s32 s10, $0x1;
	s10 =	sld [smem:$0x3FBA];
	_ =	sdelay $0x3  }
0x34: {  	[smem:$0x3FBA] =	sst s10  }
0x35: {  	s10 =	sld [smem:$0x3FB9];
	_ =	sdelay $0x3  }
0x36: {  	p1 =	seq.s32 s10, $0x1;
	s10 =	sld [smem:$0x3FBA];
	_ =	sdelay $0x3  }
0x37: {  	[smem:$0x3FBA] =	sst s10  }
0x38: {  	s10 =	sld [smem:$0x3FBB]  }
0x39: {  	_ = 	snop;
	(pc) =	sbr.ind lr, $3  }
0x3a: {  	_ = 	snop  }
0x3b: {  	_ = 	snop  }
0x3c: {  	p2 =	seq.s32 s10, $0x1;
	s10 =	sld [smem:$0x3FBA]  }
0x3d: {  	_ =	shalt  }
0x3e: {  	_ =	shalt  }
0x3f: {  	_ =	shalt  }
0x40: {  	_ =	shalt  }
0x41: {  	_ =	shalt  }
0x42: {  	_ =	shalt  }
0x43: {  	_ =	shalt  }
0x44: {  	_ =	shalt  }
0x45: {  	_ =	shalt  }
0x46: {  	_ =	shalt  }
0x47: {  	_ =	shalt  }
0x48: {  	_ =	shalt  }
0x49: {  	_ =	shalt  }
0x4a: {  	_ =	shalt  }
0x4b: {  	_ =	shalt  }
0x4c: {  	_ =	shalt  }
0x4d: {  	_ =	shalt  }
0x4e: {  	_ =	shalt  }
0x4f: {  	_ =	shalt  }
0x50: {  	_ =	shalt  }
0x51: {  	_ =	shalt  }
0x52: {  	_ =	shalt  }
0x53: {  	_ =	shalt  }
0x54: {  	_ =	shalt  }
0x55: {  	_ =	shalt  }
0x56: {  	_ =	shalt  }
0x57: {  	_ =	shalt  }
0x58: {  	_ =	shalt  }
0x59: {  	_ =	shalt  }
0x5a: {  	_ =	shalt  }
0x5b: {  	_ =	shalt  }
0x5c: {  	_ =	shalt  }
0x5d: {  	_ =	shalt  }
0x5e: {  	_ =	shalt  }
0x5f: {  	_ =	shalt  }
0x60: {  	_ =	shalt  }
0x61: {  	_ =	shalt  }
0x62: {  	_ =	shalt  }
0x63: {  	_ =	shalt  }
0x64: {  	_ =	shalt  }
0x65: {  	_ =	shalt  }
0x66: {  	_ =	shalt  }
0x67: {  	_ =	shalt  }
0x68: {  	_ =	shalt  }
0x69: {  	_ =	shalt  }
0x6a: {  	_ =	shalt  }
0x6b: {  	_ =	shalt  }
0x6c: {  	_ =	shalt  }
0x6d: {  	_ =	shalt  }
0x6e: {  	_ =	shalt  }
0x6f: {  	_ =	shalt  }
0x70: {  	_ =	shalt  }
0x71: {  	_ =	shalt  }
0x72: {  	_ =	shalt  }
0x73: {  	_ =	shalt  }
0x74: {  	_ =	shalt  }
0x75: {  	_ =	shalt  }
0x76: {  	_ =	shalt  }
0x77: {  	_ =	shalt  }
0x78: {  	_ =	shalt  }
0x79: {  	_ =	shalt  }
0x7a: {  	_ =	shalt  }
0x7b: {  	_ =	shalt  }
0x7c: {  	_ =	shalt  }
0x7d: {  	_ =	shalt  }
0x7e: {  	_ =	shalt  }
0x7f: {  	_ =	shalt  }
0x80: {  	_ =	shalt  }
0x81: {  	_ =	shalt  }
0x82: {  	_ =	shalt  }
0x83: {  	_ =	shalt  }
0x84: {  	_ =	shalt  }
0x85: {  	_ =	shalt  }
0x86: {  	_ =	shalt  }
0x87: {  	_ =	shalt  }
.Lfunc_end0:
.L_simem_size_0:
called_computation_lowered:
.L_overlay_start_0:
0x88: {  	s2 =	sld [smem:$0x3FD9]  }
0x89: {  	s3 =	sld [smem:$0x3FFE];
	_ =	sdelay $0x1  }
0x8a: {  	s1 =	srdreg.scid  }
0x8b: {  	s0 =	sand.u32 $0x1, s1  }
0x8c: {  	s14 =	sshll.u32 s0, $0xA;
	s2 =	sadd.s32 s3, s2  }
0x8d: {  	s2 =	sadd.s32 s2, s14  }
0x8e: {  	[smem:$0x3FC6] =	sst s2  }
0x8f: {  	_ = 	snop  }
0x90: {  	s2 =	sld [smem:$0x3FD0];
	_ =	sdelay $0x2  }
0x91: {  	s15 =	simm.s32 $0xA;
	s4 =	simm.s32 $0x10  }
0x92: {  	[smem:s4], [sflag:s15] =	dma.local [hbm:s2], $0x1  }
0x93: {  	_ =	swait.eq [sflag:s15], $0x1  }
0x94: {  	[sflag:s15] =	ssyncset.done $0x0  }
0x95: {  	[sflag:s15] =	ssyncadd.s32 $0xFFFFFFFF  }
0x96: {  	s16 =	sld [smem:$0x10];
	(tm) =	ssettm $0x1  }
0x97: {  	s17 =	sld [smem:$0x3FFB];
	_ =	sdelay $0x3  }
0x98: {  	_ =	strace s17  }
0x99: {  	s3 =	sld [smem:$0x3FFC];
	_ =	sdelay $0x3  }
0x9a: {  	_ =	strace s3  }
0x9b: {  	s3 =	sld [smem:$0x3FFD];
	_ =	sdelay $0x3  }
0x9c: {  	_ =	strace s3  }
0x9d: {  	_ =	strace $0x8FFFFFFF  }
0x9e: {  	s18 =	sld [smem:$0x3FDB];
	_ =	sdelay $0x1  }
0x9f: {  	s19 =	simm.s32 $_scs_section_size  }
0xa0: {  	s5 =	simm.s32 $_size__tile_overlayer_lowered;
	s6 =	simm.s32 $_tile_overlayer_lowered  }
0xa1: {  	s22 =	simm.s32 $0x1BFF;
	s21 =	sshll.u32 s6, $0x1;
	s3 =	sadd.s32 s19, s18  }
0xa2: {  	s7 =	simm.s32 $0x0;
	s20 =	sshll.u32 s5, $0x1;
	s5 =	sadd.s32 s21, s3  }
0xa3: {  	[timem:s7], [sflag:s22] =	dma.local [hbm:s5], s20  }
0xa4: {  	_ =	swait.ge [sflag:s22], s20  }
0xa5: {  	s4 =	ssub.s32 $0x0, s20;
	[sflag:s22] =	ssyncset.done $0x0  }
0xa6: {  	[sflag:s22] =	ssyncadd.s32 s4;
	_ =	sdelay $0x1  }
0xa7: {  	s23 =	simm.s32 $0x1B8B  }
0xa8: {  	_ =	swait.ge [sflag:s23], $0x1  }
0xa9: {  	[sflag:s23] =	ssyncset.done $0x0  }
0xaa: {  	s25 =	simm.s32 $0x1B8E;
	s24 =	sld [smem:$0x3FFE];
	[sflag:s23] =	ssyncadd.s32 $0xFFFFFFFF  }
0xab: {  	s26 =	simm.s32 $execute0_lowered;
	[smem:$0x3FD2] =	sst s25  }
0xac: {  	s5 =	sshll.u32 s26, $0x1;
	_ =	strace $0x80000046;
	[dreg:$0x1] =	wrdreg $0xFFFFFFFF  }
0xad: {  	s28 =	simm.s32 $_size_execute0_lowered;
	s3 =	sadd.s32 s3, s5;
	[dreg:$0x0] =	wrdreg $0x0  }
0xae: {  	s5 =	sshll.u32 s28, $0x1;
	[dreg:$0x2] =	wrdreg s3  }
0xaf: {  	[dreg:$0x3] =	wrdreg s5  }
0xb0: {  	[dreg:$0x4] =	wrdreg $0xC0  }
0xb1: {  	_ =	task [dreg:s7], $0x5FFFF  }
0xb2: {  	[dreg:$0x1] =	wrdreg $0xFFFFFFFF  }
0xb3: {  	[dreg:$0x0] =	wrdreg $0x60  }
0xb4: {  	[dreg:$0x2] =	wrdreg s24  }
0xb5: {  	[dreg:$0x3] =	wrdreg s16  }
0xb6: {  	[dreg:$0x4] =	wrdreg $0x9  }
0xb7: {  	_ =	task.clear_ibuf [dreg:s7], $0x5FFFF;
	_ =	strace $0x90000046  }
0xb8: {  	s29 =	simm.s32 $0x9;
	_ =	strace $0x80000048  }
0xb9: {  	_ =	swait.ge [sflag:s29], $0x1  }
0xba: {  	[sflag:s29] =	ssyncadd.s32 $0xFFFFFFFF  }
0xbb: {  	_ =	strace $0x90000048  }
0xbc: {  	_ =	sfence  }
0xbd: {  	s30 =	sld [smem:$0x0];
	_ =	sdelay $0x2  }
0xbe: {  	s31 =	sshll.u32 s1, $0xD;
	s1 =	sshrl.u32 s1, $0x2  }
0xbf: {  	s3 =	sand.u32 $0x4000, s31;
	s1 =	sadd.s32 s1, s30  }
0xc0: {  	s0 =	sor.u32 s3, s0;
	s1 =	sshll.u32 s1, $0x11  }
0xc1: {  	s0 =	sor.u32 s1, s0  }
0xc2: {  	s0 =	sadd.s32 $0x8F2B, s0  }
0xc3: {  	[sflag:s0] =	ssyncadd.remote.s32 $0x1  }
0xc4: {  	_ =	sfence.sel $0xFFFF  }
0xc5: {  	[dreg:$0x0] =	wrdreg $0xFFFFFFFF;
	(pc) =	sbr.abs _section_cstart, $3  }
0xc6: {  	[dreg:$0x1] =	wrdreg $0xFFFFFFFF  }
0xc7: {  	_ =	task.clear_ibuf [dreg:s7], $0x2FFFF;
	_ =	strace $0x9FFFFFFF  }
0xc8: {  	(tm) =	ssettm $0x7FFFFFFF  }
0xc9: {  	_ =	shalt  }
tec
execute0_lowered:
.L_overlay_start_1:
0x0: {  	(tag) =	ssettag $0x1  }
0x1: {  	s0 =	rddreg [dreg:$0x0]  }
0x2: {  	s1 =	rddreg [dreg:$0x1];
	s3 =	simm.s32 $0x0;
	s2 =	srdreg.scid  }
0x3: {  	s7 =	stileid.u32;
	s9 =	simm.s32 $0x4;
	s10 =	simm.s32 $0xC8  }
0x4: {  	s25 =	simm.s32 $0x1;
	s26 =	simm.s32 $0x640;
	s11 =	simm.s32 $0xA28  }
0x5: {  	s12 =	simm.s32 $0x15180;
	s13 =	simm.s32 $0xAF0;
	s14 =	simm.s32 $0x16A80  }
0x6: {  	s15 =	simm.s32 $0xBB8;
	s16 =	simm.s32 $0x18380;
	s17 =	simm.s32 $0x2  }
0x7: {  	s18 =	simm.s32 $0x3;
	s20 =	simm.s32 $0x0;
	[smem:$0x7FF] =	sst s3  }
0x8: {  	s2 =	sand.u32 $0x1, s2;
	s5 =	sshll.u32 s7, $0xE;
	s4 =	sadd.s32 $0x80600, s0  }
0x9: {  	s7 =	sshll.u32 s7, $0xA;
	_ =	strace $0x80000047;
	s6 =	ssub.s32 $0x2, s2  }
0xa: {  	s0 =	sadd.s32 s5, s0;
	s8 =	sshll.u32 s2, $0x9;
	s2 =	sshll.u32 s2, $0xD  }
0xb: {  	s29 =	sshrl.u32 s6, $0x1;
	s5 =	sor.u32 s8, s7;
	s0 =	sadd.s32 s2, s0  }
0xc: {  	s2 =	simm.s32 $0x898;
	s7 =	simm.s32 $0x960;
	s31 =	sadd.s32 $0xE4600, s0  }
0xd: {  	s6 =	ssub.s32 s6, s29;
	s0 =	sadd.s32 $0xE4680, s0;
	[dreg:$0x4] =	wrdreg s31  }
0xe: {  	s8 =	simm.s32 $0x13880;
	s30 =	smax.u32 s6, $0x1;
	[dreg:$0x5] =	wrdreg s0  }
0xf: {  	s0 =	simm.s32 $0x10680;
	s6 =	simm.s32 $0x11F80;
	[dreg:$0x3] =	wrdreg s30  }
.LBB2_1:
0x10: {  	[dreg:$0x6] =	wrdreg s20  }
0x11: {  	s19 =	rddreg [dreg:$0x5]  }
0x12: {  	s20 =	rddreg [dreg:$0x4];
	s21 =	simm.s32 $0x0  }
.LBB2_2:
0x13: {  	s22 =	sshll.u32 s21, $0x4  }
0x14: {  	s22 =	sor.u32 s5, s22  }
0x15: {  	s23 =	smul.u32 $0x19, s22  }
0x16: {  	p0 =	seq.s32 s21, $0x0  }
.Ltmp0:
0x17: {  	s23 =	sadd.s32 s4, s23;
	(pc) =	sbr.rel @p0 .LBB2_6-.Ltmp0, $4  }
0x18: {  	[tilespmem:s3], [sflag:$0x4] =	stream.linear.gather [hbm4b:s23+s3], $0x640, $0x38;
	[tilespmem:$0x19C80] =	vst v63  }
0x19: {  	_ =	swait.ge [sflag:s9], $0x640  }
0x1a: {  	[sflag:s9] =	ssyncset.done $0x0  }
0x1b: {  	s23 =	simm.s32 $0x32;
	[sflag:s9] =	ssyncadd.s32 $0xFFFFF9C0  }
0x1c: {  	_ =	swait.ge [sflag:s17], $0x400  }
0x1d: {  	s23 =	sadd.s32 $0xFFFFFFFF, s23;
	[sflag:s17] =	ssyncset.done $0x0  }
.LBB2_4:
0x1e: {  	p1 =	sne.s32 s23, $0x1;
	s23 =	sadd.s32 $0xFFFFFFFF, s23;
	[sflag:s17] =	ssyncadd.s32 $0xFFFFFC00  }
.Ltmp1:
0x1f: {  	(pc) =	sbr.rel @p1 .LBB2_4-.Ltmp1, $3  }
0x20: {  	_ =	sdelay $0x1  }
0x21: {  	_ =	swait.ge [sflag:s17], $0x400  }
0x22: {  	[sflag:s17] =	ssyncset.done $0x0  }
0x23: {  	[sflag:s17] =	ssyncadd.s32 $0xFFFFFC00  }
.LBB2_6:
0x24: {  	s23 =	simm.s32 $0x0;
	s24 =	simm.s32 $0xC80  }
0x25: {  	[tilespmem:s24], [sflag:$0x1] =	stream.indirect.gather [hbm4b:s1+s10], $0x20, s23, s10, $0xb8;
	[tilespmem:$0x19C80] =	vst v63  }
0x26: {  	s31 =	simm.s32 $0x2580  }
0x27: {  	[tilespmem:s31], [sflag:$0x1] =	stream.indirect.gather [hbm4b:s1+s10], $0x20, s10, s10, $0xb8;
	[tilespmem:$0x19C80] =	vst v63  }
0x28: {  	s24 =	simm.s32 $0x190;
	s31 =	simm.s32 $0x3E80  }
0x29: {  	[tilespmem:s31], [sflag:$0x1] =	stream.indirect.gather [hbm4b:s1+s10], $0x20, s24, s10, $0xb8;
	[tilespmem:$0x19C80] =	vst v63  }
0x2a: {  	s24 =	simm.s32 $0x258;
	s31 =	simm.s32 $0x5780  }
0x2b: {  	[tilespmem:s31], [sflag:$0x1] =	stream.indirect.gather [hbm4b:s1+s10], $0x20, s24, s10, $0xb8;
	[tilespmem:$0x19C80] =	vst v63  }
0x2c: {  	s24 =	simm.s32 $0x320;
	s31 =	simm.s32 $0x7080  }
0x2d: {  	[tilespmem:s31], [sflag:$0x1] =	stream.indirect.gather [hbm4b:s1+s10], $0x20, s24, s10, $0xb8;
	[tilespmem:$0x19C80] =	vst v63  }
0x2e: {  	s24 =	simm.s32 $0x3E8;
	s31 =	simm.s32 $0x8980  }
0x2f: {  	[tilespmem:s31], [sflag:$0x1] =	stream.indirect.gather [hbm4b:s1+s10], $0x20, s24, s10, $0xb8;
	[tilespmem:$0x19C80] =	vst v63  }
0x30: {  	s24 =	simm.s32 $0x4B0;
	s31 =	simm.s32 $0xA280  }
0x31: {  	[tilespmem:s31], [sflag:$0x1] =	stream.indirect.gather [hbm4b:s1+s10], $0x20, s24, s10, $0xb8;
	[tilespmem:$0x19C80] =	vst v63  }
0x32: {  	s24 =	simm.s32 $0x578;
	s31 =	simm.s32 $0xBB80  }
0x33: {  	[tilespmem:s31], [sflag:$0x1] =	stream.indirect.gather [hbm4b:s1+s10], $0x20, s24, s10, $0xb8;
	[tilespmem:$0x19C80] =	vst v63  }
0x34: {  	_ =	swait.ge [sflag:s25], $0x1900  }
0x35: {  	[sflag:s25] =	ssyncset.done $0x0  }
0x36: {  	[sflag:s25] =	ssyncadd.s32 $0xFFFFE700  }
0x37: {  	_ =	swait.ge [sflag:s25], $0x1900  }
0x38: {  	[sflag:s25] =	ssyncset.done $0x0  }
0x39: {  	[sflag:s25] =	ssyncadd.s32 $0xFFFFE700  }
0x3a: {  	_ =	swait.ge [sflag:s25], $0x1900  }
0x3b: {  	[sflag:s25] =	ssyncset.done $0x0  }
0x3c: {  	[sflag:s25] =	ssyncadd.s32 $0xFFFFE700  }
0x3d: {  	_ =	swait.ge [sflag:s25], $0x1900  }
0x3e: {  	[sflag:s25] =	ssyncset.done $0x0  }
0x3f: {  	[sflag:s25] =	ssyncadd.s32 $0xFFFFE700  }
0x40: {  	_ =	swait.ge [sflag:s25], $0x1900  }
0x41: {  	[sflag:s25] =	ssyncset.done $0x0  }
0x42: {  	[sflag:s25] =	ssyncadd.s32 $0xFFFFE700  }
0x43: {  	_ =	swait.ge [sflag:s25], $0x1900  }
0x44: {  	[sflag:s25] =	ssyncset.done $0x0  }
0x45: {  	[sflag:s25] =	ssyncadd.s32 $0xFFFFE700  }
0x46: {  	_ =	swait.ge [sflag:s25], $0x1900  }
0x47: {  	[sflag:s25] =	ssyncset.done $0x0  }
0x48: {  	[sflag:s25] =	ssyncadd.s32 $0xFFFFE700  }
0x49: {  	_ =	swait.ge [sflag:s25], $0x1900  }
0x4a: {  	[sflag:s25] =	ssyncset.done $0x0  }
0x4b: {  	s31 =	simm.s32 $0xC80;
	[sflag:s25] =	ssyncadd.s32 $0xFFFFE700  }
0x4c: {  	[hbm4b:s20+s3] =	stream.linear.scatter [tilespmem:s31], [sflag:$0x2], $0x80, $0x38;
	[tilespmem:$0x19C80] =	vst v63  }
0x4d: {  	s24 =	simm.s32 $0x2580;
	s31 =	sadd.s32 $0x10, s20  }
0x4e: {  	[hbm4b:s31+s3] =	stream.linear.scatter [tilespmem:s24], [sflag:$0x2], $0x80, $0x38;
	[tilespmem:$0x19C80] =	vst v63  }
0x4f: {  	s24 =	simm.s32 $0x3E80;
	s31 =	sadd.s32 $0x20, s20  }
0x50: {  	[hbm4b:s31+s3] =	stream.linear.scatter [tilespmem:s24], [sflag:$0x2], $0x80, $0x38;
	[tilespmem:$0x19C80] =	vst v63  }
0x51: {  	s24 =	simm.s32 $0x5780;
	s31 =	sadd.s32 $0x30, s20  }
0x52: {  	[hbm4b:s31+s3] =	stream.linear.scatter [tilespmem:s24], [sflag:$0x2], $0x80, $0x38;
	[tilespmem:$0x19C80] =	vst v63  }
0x53: {  	s24 =	simm.s32 $0x7080;
	s31 =	sadd.s32 $0x40, s20  }
0x54: {  	[hbm4b:s31+s3] =	stream.linear.scatter [tilespmem:s24], [sflag:$0x2], $0x80, $0x38;
	[tilespmem:$0x19C80] =	vst v63  }
0x55: {  	s28 =	simm.s32 $0x400;
	s24 =	simm.s32 $0x8980;
	s31 =	sadd.s32 $0x50, s20  }
0x56: {  	[hbm4b:s31+s3] =	stream.linear.scatter [tilespmem:s24], [sflag:$0x2], $0x80, $0x38;
	[tilespmem:$0x19C80] =	vst v63  }
0x57: {  	s29 =	simm.s32 $0xBB80;
	s24 =	simm.s32 $0xA280;
	s31 =	sadd.s32 $0x60, s20  }
0x58: {  	[hbm4b:s31+s3] =	stream.linear.scatter [tilespmem:s24], [sflag:$0x2], $0x80, $0x38;
	[tilespmem:$0x19C80] =	vst v63  }
0x59: {  	s30 =	sadd.s32 $0x70, s20;
	s23 =	simm.s32 $0x80;
	s24 =	sadd.s32 $0x40000, s20  }
.LBB2_7:
0x5a: {  	[hbm4b:s30+s3] =	stream.linear.scatter [tilespmem:s29], [sflag:$0x2], $0x80, $0x38;
	[tilespmem:$0x19C80] =	vst v63  }
0x5b: {  	s29 =	smov.u32 s23;
	s23 =	smov.u32 s28  }
0x5c: {  	s31 =	sadd.s32 $0x200, s28;
	s23 =	sshra.s32 s23, $0x2;
	s30 =	sadd.s32 $0xC80, s29  }
0x5d: {  	[hbm4b:s24+s3] =	stream.linear.scatter [tilespmem:s30], [sflag:$0x2], $0x80, $0x38;
	[tilespmem:$0x19C80] =	vst v63  }
0x5e: {  	p1 =	sne.s32 s28, $0x6200;
	s28 =	sadd.s32 $0x2580, s29;
	s30 =	sadd.s32 $0x10, s24  }
0x5f: {  	[hbm4b:s30+s3] =	stream.linear.scatter [tilespmem:s28], [sflag:$0x2], $0x80, $0x38;
	[tilespmem:$0x19C80] =	vst v63  }
0x60: {  	s28 =	sadd.s32 $0x3E80, s29;
	s30 =	sadd.s32 $0x20, s24  }
0x61: {  	[hbm4b:s30+s3] =	stream.linear.scatter [tilespmem:s28], [sflag:$0x2], $0x80, $0x38;
	[tilespmem:$0x19C80] =	vst v63  }
0x62: {  	s28 =	sadd.s32 $0x5780, s29;
	s30 =	sadd.s32 $0x30, s24  }
0x63: {  	[hbm4b:s30+s3] =	stream.linear.scatter [tilespmem:s28], [sflag:$0x2], $0x80, $0x38;
	[tilespmem:$0x19C80] =	vst v63  }
0x64: {  	s28 =	sadd.s32 $0x7080, s29;
	s30 =	sadd.s32 $0x40, s24  }
0x65: {  	[hbm4b:s30+s3] =	stream.linear.scatter [tilespmem:s28], [sflag:$0x2], $0x80, $0x38;
	[tilespmem:$0x19C80] =	vst v63  }
.Ltmp2:
0x66: {  	s28 =	sadd.s32 $0x8980, s29;
	s30 =	sadd.s32 $0x50, s24;
	(pc) =	sbr.rel @p1 .LBB2_7-.Ltmp2, $4  }
0x67: {  	[hbm4b:s30+s3] =	stream.linear.scatter [tilespmem:s28], [sflag:$0x2], $0x80, $0x38;
	[tilespmem:$0x19C80] =	vst v63  }
0x68: {  	s28 =	sadd.s32 $0xA280, s29;
	s30 =	sadd.s32 $0x60, s24;
	s29 =	sadd.s32 $0xBB80, s29  }
0x69: {  	[hbm4b:s30+s3] =	stream.linear.scatter [tilespmem:s28], [sflag:$0x2], $0x80, $0x38;
	[tilespmem:$0x19C80] =	vst v63  }
0x6a: {  	s30 =	sadd.s32 $0x70, s24;
	s24 =	sadd.s32 $0x40000, s24;
	s28 =	smov.u32 s31  }
0x6b: {  	[hbm4b:s30+s3] =	stream.linear.scatter [tilespmem:s29], [sflag:$0x2], $0x80, $0x38;
	[tilespmem:$0x19C80] =	vst v63  }
0x6c: {  	s28 =	sadd.s32 $0xC80, s23  }
0x6d: {  	[hbm4b:s24+s3] =	stream.linear.scatter [tilespmem:s28], [sflag:$0x2], $0x80, $0x38;
	[tilespmem:$0x19C80] =	vst v63  }
0x6e: {  	s30 =	sadd.s32 $0x2580, s23;
	s31 =	sadd.s32 $0x10, s24  }
0x6f: {  	[hbm4b:s31+s3] =	stream.linear.scatter [tilespmem:s30], [sflag:$0x2], $0x80, $0x38;
	[tilespmem:$0x19C80] =	vst v63  }
0x70: {  	s30 =	sadd.s32 $0x3E80, s23;
	s31 =	sadd.s32 $0x20, s24  }
0x71: {  	[hbm4b:s31+s3] =	stream.linear.scatter [tilespmem:s30], [sflag:$0x2], $0x80, $0x38;
	[tilespmem:$0x19C80] =	vst v63  }
0x72: {  	s30 =	sadd.s32 $0x5780, s23;
	s31 =	sadd.s32 $0x30, s24  }
0x73: {  	[hbm4b:s31+s3] =	stream.linear.scatter [tilespmem:s30], [sflag:$0x2], $0x80, $0x38;
	[tilespmem:$0x19C80] =	vst v63  }
0x74: {  	s30 =	sadd.s32 $0x7080, s23;
	s31 =	sadd.s32 $0x40, s24  }
0x75: {  	[hbm4b:s31+s3] =	stream.linear.scatter [tilespmem:s30], [sflag:$0x2], $0x80, $0x38;
	[tilespmem:$0x19C80] =	vst v63  }
0x76: {  	s30 =	sadd.s32 $0x8980, s23;
	s31 =	sadd.s32 $0x50, s24  }
0x77: {  	[hbm4b:s31+s3] =	stream.linear.scatter [tilespmem:s30], [sflag:$0x2], $0x80, $0x38;
	[tilespmem:$0x19C80] =	vst v63  }
0x78: {  	s22 =	sor.u32 $0x8, s22;
	s30 =	sadd.s32 $0xA280, s23;
	s31 =	sadd.s32 $0x60, s24  }
0x79: {  	[hbm4b:s31+s3] =	stream.linear.scatter [tilespmem:s30], [sflag:$0x2], $0x80, $0x38;
	[tilespmem:$0x19C80] =	vst v63  }
0x7a: {  	s22 =	smul.u32 $0x19, s22;
	s30 =	sadd.s32 $0xBB80, s23;
	s31 =	sadd.s32 $0x70, s24  }
0x7b: {  	[hbm4b:s31+s3] =	stream.linear.scatter [tilespmem:s30], [sflag:$0x2], $0x80, $0x38;
	[tilespmem:$0x19C80] =	vst v63  }
.Ltmp3:
0x7c: {  	s22 =	sadd.s32 s4, s22;
	(pc) =	sbr.rel @p0 .LBB2_12-.Ltmp3, $4  }
0x7d: {  	[tilespmem:s26], [sflag:$0x4] =	stream.linear.gather [hbm4b:s22+s3], $0x640, $0x38;
	[tilespmem:$0x19C80] =	vst v63  }
0x7e: {  	_ =	swait.ge [sflag:s9], $0x640  }
0x7f: {  	[sflag:s9] =	ssyncset.done $0x0  }
0x80: {  	s22 =	simm.s32 $0x32;
	[sflag:s9] =	ssyncadd.s32 $0xFFFFF9C0  }
0x81: {  	_ =	swait.ge [sflag:s18], $0x400  }
0x82: {  	s22 =	sadd.s32 $0xFFFFFFFF, s22;
	[sflag:s18] =	ssyncset.done $0x0  }
.LBB2_10:
0x83: {  	p0 =	sne.s32 s22, $0x1;
	s22 =	sadd.s32 $0xFFFFFFFF, s22;
	[sflag:s18] =	ssyncadd.s32 $0xFFFFFC00  }
.Ltmp4:
0x84: {  	(pc) =	sbr.rel @p0 .LBB2_10-.Ltmp4, $3  }
0x85: {  	_ =	sdelay $0x1  }
0x86: {  	_ =	swait.ge [sflag:s18], $0x400  }
0x87: {  	[sflag:s18] =	ssyncset.done $0x0  }
0x88: {  	[sflag:s18] =	ssyncadd.s32 $0xFFFFFC00  }
.LBB2_12:
0x89: {  	s22 =	simm.s32 $0xD480  }
0x8a: {  	[tilespmem:s22], [sflag:$0x1] =	stream.indirect.gather [hbm4b:s1+s10], $0x20, s26, s10, $0xb8;
	[tilespmem:$0x19C80] =	vst v63  }
0x8b: {  	s24 =	simm.s32 $0x708;
	s23 =	simm.s32 $0xED80  }
0x8c: {  	[tilespmem:s23], [sflag:$0x1] =	stream.indirect.gather [hbm4b:s1+s10], $0x20, s24, s10, $0xb8;
	[tilespmem:$0x19C80] =	vst v63  }
0x8d: {  	s30 =	simm.s32 $0x7D0  }
0x8e: {  	[tilespmem:s0], [sflag:$0x1] =	stream.indirect.gather [hbm4b:s1+s10], $0x20, s30, s10, $0xb8;
	[tilespmem:$0x19C80] =	vst v63  }
0x8f: {  	_ = 	snop  }
0x90: {  	[tilespmem:s6], [sflag:$0x1] =	stream.indirect.gather [hbm4b:s1+s10], $0x20, s2, s10, $0xb8;
	[tilespmem:$0x19C80] =	vst v63  }
0x91: {  	_ = 	snop  }
0x92: {  	[tilespmem:s8], [sflag:$0x1] =	stream.indirect.gather [hbm4b:s1+s10], $0x20, s7, s10, $0xb8;
	[tilespmem:$0x19C80] =	vst v63  }
0x93: {  	_ = 	snop  }
0x94: {  	[tilespmem:s12], [sflag:$0x1] =	stream.indirect.gather [hbm4b:s1+s10], $0x20, s11, s10, $0xb8;
	[tilespmem:$0x19C80] =	vst v63  }
0x95: {  	_ = 	snop  }
0x96: {  	[tilespmem:s14], [sflag:$0x1] =	stream.indirect.gather [hbm4b:s1+s10], $0x20, s13, s10, $0xb8;
	[tilespmem:$0x19C80] =	vst v63  }
0x97: {  	_ = 	snop  }
0x98: {  	[tilespmem:s16], [sflag:$0x1] =	stream.indirect.gather [hbm4b:s1+s10], $0x20, s15, s10, $0xb8;
	[tilespmem:$0x19C80] =	vst v63  }
0x99: {  	_ =	swait.ge [sflag:s25], $0x1900  }
0x9a: {  	[sflag:s25] =	ssyncset.done $0x0  }
0x9b: {  	[sflag:s25] =	ssyncadd.s32 $0xFFFFE700  }
0x9c: {  	_ =	swait.ge [sflag:s25], $0x1900  }
0x9d: {  	[sflag:s25] =	ssyncset.done $0x0  }
0x9e: {  	[sflag:s25] =	ssyncadd.s32 $0xFFFFE700  }
0x9f: {  	_ =	swait.ge [sflag:s25], $0x1900  }
0xa0: {  	[sflag:s25] =	ssyncset.done $0x0  }
0xa1: {  	[sflag:s25] =	ssyncadd.s32 $0xFFFFE700  }
0xa2: {  	_ =	swait.ge [sflag:s25], $0x1900  }
0xa3: {  	[sflag:s25] =	ssyncset.done $0x0  }
0xa4: {  	[sflag:s25] =	ssyncadd.s32 $0xFFFFE700  }
0xa5: {  	_ =	swait.ge [sflag:s25], $0x1900  }
0xa6: {  	[sflag:s25] =	ssyncset.done $0x0  }
0xa7: {  	[sflag:s25] =	ssyncadd.s32 $0xFFFFE700  }
0xa8: {  	_ =	swait.ge [sflag:s25], $0x1900  }
0xa9: {  	[sflag:s25] =	ssyncset.done $0x0  }
0xaa: {  	[sflag:s25] =	ssyncadd.s32 $0xFFFFE700  }
0xab: {  	_ =	swait.ge [sflag:s25], $0x1900  }
0xac: {  	[sflag:s25] =	ssyncset.done $0x0  }
0xad: {  	[sflag:s25] =	ssyncadd.s32 $0xFFFFE700  }
0xae: {  	_ =	swait.ge [sflag:s25], $0x1900  }
0xaf: {  	[sflag:s25] =	ssyncset.done $0x0  }
0xb0: {  	s31 =	simm.s32 $0xD480;
	[sflag:s25] =	ssyncadd.s32 $0xFFFFE700  }
0xb1: {  	[hbm4b:s19+s3] =	stream.linear.scatter [tilespmem:s31], [sflag:$0x3], $0x80, $0x38;
	[tilespmem:$0x19C80] =	vst v63  }
0xb2: {  	s23 =	simm.s32 $0xED80;
	s24 =	sadd.s32 $0x10, s19  }
0xb3: {  	[hbm4b:s24+s3] =	stream.linear.scatter [tilespmem:s23], [sflag:$0x3], $0x80, $0x38;
	[tilespmem:$0x19C80] =	vst v63  }
0xb4: {  	s28 =	simm.s32 $0x18380;
	s30 =	simm.s32 $0x10680;
	s31 =	sadd.s32 $0x20, s19  }
0xb5: {  	[hbm4b:s31+s3] =	stream.linear.scatter [tilespmem:s30], [sflag:$0x3], $0x80, $0x38;
	[tilespmem:$0x19C80] =	vst v63  }
0xb6: {  	s29 =	sadd.s32 $0x70, s19;
	s23 =	simm.s32 $0x11F80;
	s24 =	sadd.s32 $0x30, s19  }
0xb7: {  	[hbm4b:s24+s3] =	stream.linear.scatter [tilespmem:s23], [sflag:$0x3], $0x80, $0x38;
	[tilespmem:$0x19C80] =	vst v63  }
0xb8: {  	s22 =	simm.s32 $0x80;
	s30 =	simm.s32 $0x13880;
	s31 =	sadd.s32 $0x40, s19  }
0xb9: {  	[hbm4b:s31+s3] =	stream.linear.scatter [tilespmem:s30], [sflag:$0x3], $0x80, $0x38;
	[tilespmem:$0x19C80] =	vst v63  }
0xba: {  	s23 =	simm.s32 $0x15180;
	s24 =	sadd.s32 $0x50, s19;
	s30 =	simm.s32 $0x16A80  }
0xbb: {  	[hbm4b:s24+s3] =	stream.linear.scatter [tilespmem:s23], [sflag:$0x3], $0x80, $0x38;
	[tilespmem:$0x19C80] =	vst v63  }
0xbc: {  	s31 =	sadd.s32 $0x60, s19;
	s24 =	simm.s32 $0x400;
	s23 =	sadd.s32 $0x40000, s19  }
0xbd: {  	[hbm4b:s31+s3] =	stream.linear.scatter [tilespmem:s30], [sflag:$0x3], $0x80, $0x38;
	[tilespmem:$0x19C80] =	vst v63  }
.LBB2_13:
0xbe: {  	[hbm4b:s29+s3] =	stream.linear.scatter [tilespmem:s28], [sflag:$0x3], $0x80, $0x38;
	[tilespmem:$0x19C80] =	vst v63  }
0xbf: {  	s28 =	smov.u32 s22;
	s22 =	smov.u32 s24  }
0xc0: {  	s30 =	sadd.s32 $0x200, s24;
	s22 =	sshra.s32 s22, $0x2;
	s29 =	sadd.s32 $0xD480, s28  }
0xc1: {  	[hbm4b:s23+s3] =	stream.linear.scatter [tilespmem:s29], [sflag:$0x3], $0x80, $0x38;
	[tilespmem:$0x19C80] =	vst v63  }
0xc2: {  	p0 =	sne.s32 s24, $0x6200;
	s24 =	sadd.s32 $0xED80, s28;
	s29 =	sadd.s32 $0x10, s23  }
0xc3: {  	[hbm4b:s29+s3] =	stream.linear.scatter [tilespmem:s24], [sflag:$0x3], $0x80, $0x38;
	[tilespmem:$0x19C80] =	vst v63  }
0xc4: {  	s24 =	sadd.s32 $0x10680, s28;
	s29 =	sadd.s32 $0x20, s23  }
0xc5: {  	[hbm4b:s29+s3] =	stream.linear.scatter [tilespmem:s24], [sflag:$0x3], $0x80, $0x38;
	[tilespmem:$0x19C80] =	vst v63  }
0xc6: {  	s24 =	sadd.s32 $0x11F80, s28;
	s29 =	sadd.s32 $0x30, s23  }
0xc7: {  	[hbm4b:s29+s3] =	stream.linear.scatter [tilespmem:s24], [sflag:$0x3], $0x80, $0x38;
	[tilespmem:$0x19C80] =	vst v63  }
0xc8: {  	s24 =	sadd.s32 $0x13880, s28;
	s29 =	sadd.s32 $0x40, s23  }
0xc9: {  	[hbm4b:s29+s3] =	stream.linear.scatter [tilespmem:s24], [sflag:$0x3], $0x80, $0x38;
	[tilespmem:$0x19C80] =	vst v63  }
.Ltmp5:
0xca: {  	s24 =	sadd.s32 $0x15180, s28;
	s29 =	sadd.s32 $0x50, s23;
	(pc) =	sbr.rel @p0 .LBB2_13-.Ltmp5, $4  }
0xcb: {  	[hbm4b:s29+s3] =	stream.linear.scatter [tilespmem:s24], [sflag:$0x3], $0x80, $0x38;
	[tilespmem:$0x19C80] =	vst v63  }
0xcc: {  	s24 =	sadd.s32 $0x16A80, s28;
	s29 =	sadd.s32 $0x60, s23;
	s28 =	sadd.s32 $0x18380, s28  }
0xcd: {  	[hbm4b:s29+s3] =	stream.linear.scatter [tilespmem:s24], [sflag:$0x3], $0x80, $0x38;
	[tilespmem:$0x19C80] =	vst v63  }
0xce: {  	s29 =	sadd.s32 $0x70, s23;
	s23 =	sadd.s32 $0x40000, s23;
	s24 =	smov.u32 s30  }
0xcf: {  	[hbm4b:s29+s3] =	stream.linear.scatter [tilespmem:s28], [sflag:$0x3], $0x80, $0x38;
	[tilespmem:$0x19C80] =	vst v63  }
0xd0: {  	s24 =	sadd.s32 $0xD480, s22  }
0xd1: {  	[hbm4b:s23+s3] =	stream.linear.scatter [tilespmem:s24], [sflag:$0x3], $0x80, $0x38;
	[tilespmem:$0x19C80] =	vst v63  }
0xd2: {  	s30 =	sadd.s32 $0xED80, s22;
	s31 =	sadd.s32 $0x10, s23  }
0xd3: {  	[hbm4b:s31+s3] =	stream.linear.scatter [tilespmem:s30], [sflag:$0x3], $0x80, $0x38;
	[tilespmem:$0x19C80] =	vst v63  }
0xd4: {  	s29 =	sadd.s32 $0x10680, s22;
	s30 =	sadd.s32 $0x20, s23  }
0xd5: {  	[hbm4b:s30+s3] =	stream.linear.scatter [tilespmem:s29], [sflag:$0x3], $0x80, $0x38;
	[tilespmem:$0x19C80] =	vst v63  }
0xd6: {  	s31 =	sadd.s32 $0x11F80, s22;
	s29 =	sadd.s32 $0x30, s23  }
0xd7: {  	[hbm4b:s29+s3] =	stream.linear.scatter [tilespmem:s31], [sflag:$0x3], $0x80, $0x38;
	[tilespmem:$0x19C80] =	vst v63  }
0xd8: {  	s21 =	sadd.s32 $0x1, s21;
	s30 =	sadd.s32 $0x13880, s22;
	s31 =	sadd.s32 $0x40, s23  }
0xd9: {  	[hbm4b:s31+s3] =	stream.linear.scatter [tilespmem:s30], [sflag:$0x3], $0x80, $0x38;
	[tilespmem:$0x19C80] =	vst v63  }
0xda: {  	p0 =	sne.s32 s21, $0x20;
	s29 =	sadd.s32 $0x15180, s22;
	s30 =	sadd.s32 $0x50, s23  }
0xdb: {  	[hbm4b:s30+s3] =	stream.linear.scatter [tilespmem:s29], [sflag:$0x3], $0x80, $0x38;
	[tilespmem:$0x19C80] =	vst v63  }
.Ltmp6:
0xdc: {  	s20 =	sadd.s32 $0x100, s20;
	(pc) =	sbr.rel @p0 .LBB2_2-.Ltmp6, $4  }
0xdd: {  	s19 =	sadd.s32 $0x100, s19;
	s31 =	sadd.s32 $0x16A80, s22;
	s29 =	sadd.s32 $0x60, s23  }
0xde: {  	[hbm4b:s29+s3] =	stream.linear.scatter [tilespmem:s31], [sflag:$0x3], $0x80, $0x38;
	[tilespmem:$0x19C80] =	vst v63  }
0xdf: {  	s30 =	sadd.s32 $0x18380, s22;
	s22 =	simm.s32 $0x32;
	s31 =	sadd.s32 $0x70, s23  }
0xe0: {  	[hbm4b:s31+s3] =	stream.linear.scatter [tilespmem:s30], [sflag:$0x3], $0x80, $0x38;
	[tilespmem:$0x19C80] =	vst v63  }
0xe1: {  	_ =	swait.ge [sflag:s17], $0x400  }
0xe2: {  	s19 =	sadd.s32 $0xFFFFFFFF, s22;
	[sflag:s17] =	ssyncset.done $0x0  }
.LBB2_16:
0xe3: {  	p0 =	sne.s32 s19, $0x1;
	s19 =	sadd.s32 $0xFFFFFFFF, s19;
	[sflag:s17] =	ssyncadd.s32 $0xFFFFFC00  }
.Ltmp7:
0xe4: {  	(pc) =	sbr.rel @p0 .LBB2_16-.Ltmp7, $3  }
0xe5: {  	_ =	sdelay $0x1  }
0xe6: {  	_ =	swait.ge [sflag:s17], $0x400  }
0xe7: {  	[sflag:s17] =	ssyncset.done $0x0  }
0xe8: {  	[sflag:s17] =	ssyncadd.s32 $0xFFFFFC00  }
0xe9: {  	_ =	swait.ge [sflag:s18], $0x400  }
0xea: {  	s19 =	simm.s32 $0x31;
	[sflag:s18] =	ssyncset.done $0x0;
	s20 =	rddreg [dreg:$0x6]  }
.LBB2_18:
0xeb: {  	p0 =	sne.s32 s19, $0x1;
	s19 =	sadd.s32 $0xFFFFFFFF, s19;
	[sflag:s18] =	ssyncadd.s32 $0xFFFFFC00  }
.Ltmp8:
0xec: {  	(pc) =	sbr.rel @p0 .LBB2_18-.Ltmp8, $3  }
0xed: {  	_ =	sdelay $0x1  }
0xee: {  	_ =	swait.ge [sflag:s18], $0x400  }
0xef: {  	[sflag:s18] =	ssyncset.done $0x0  }
0xf0: {  	s20 =	sadd.s32 $0x1, s20;
	s19 =	rddreg [dreg:$0x3]  }
0xf1: {  	p0 =	sne.s32 s20, s19  }
.Ltmp9:
0xf2: {  	_ = 	snop;
	(pc) =	sbr.rel @p0 .LBB2_1-.Ltmp9, $2  }
0xf3: {  	_ =	sdelay $0x2  }
0xf4: {  	[sflag:s18] =	ssyncadd.s32 $0xFFFFFC00  }
0xf5: {  	_ =	sfence.sel $0x180000  }
0xf6: {  	[bflag:$0x0] =	sbarrier.arrive $0xFFFF  }
0xf7: {  	_ =	strace $0x90000047  }
0xf8: {  	s0 =	stileid.u32;
	[bflag:$0x2] =	sbarrier.arrive $0xFFFF  }
0xf9: {  	p0 =	sne.s32 s0, $0x0;
	s0 =	rddreg [dreg:$0x2]  }
0xfa: {  	s0 =	sadd.s32 @!p0 $0x100000, s0  }
0xfb: {  	[sflag:s0] =	ssyncadd.tile.s32 @!p0 $0x1;
	_ =	shalt  }
.Lfunc_end2:
_tile_overlayer_lowered:
.L_overlay_start_2:
0xfc: {  	(tag) =	ssettag $0x2  }
0xfd: {  	s0 =	rddreg [dreg:$0x0];
	s2 =	stileid.u32  }
0xfe: {  	s1 =	rddreg [dreg:$0x1];
	p0 =	sne.s32 s2, $0x0  }
0xff: {  	s3 =	rddreg [dreg:$0x2];
	[bflag:$0x3] =	sbarrier.arrive $0xFFFF;
	s2 =	simm.s32 @!p0 $0x1C04  }
0x100: {  	[timem:s3], [sflag:s2] =	dma.local @!p0 [hbm:s0], s1  }
0x101: {  	s0 =	simm.s32 @!p0 $0x4  }
0x102: {  	_ =	swait.ge @!p0 [sflag:s0], s1  }
0x103: {  	s1 =	ssub.s32 @!p0 $0x0, s1;
	[sflag:s0] =	ssyncset.done @!p0 $0x0  }
0x104: {  	[sflag:s0] =	ssyncadd.s32 @!p0 s1  }
0x105: {  	[bflag:$0x3] =	sbarrier.arrive $0xFFFF  }
0x106: {  	_ =	shalt  }

</sc_bundles>
